<compile_context>
chip_gen: v7x
topology: tpu7x:2x2x1
jax: 0.10.2.dev20260603
libtpu: 0.0.44.dev20260713+nightly
codegen_flags: <defaults>
</compile_context>

<pallas_src>
import functools

import jax
import jax.numpy as jnp
import numpy as np
from jax import lax
from jax.experimental import pallas as pl
from jax.experimental.pallas import tpu as pltpu
from jax.experimental.pallas import tpu_sc as plsc

BLOCK = 128
NB = 16
H = 16
S = 2048
D = 128
SCALE = 1.0 / np.sqrt(D)
LOG2E = float(np.log2(np.e))
MIN_RETAIN = 1
MAX_RETAIN = 11
ENERGY = 0.95
QTILE = 2048
NQT = S // QTILE
QB_PER_TILE = QTILE // BLOCK
KCHUNK = 256
NKC = S // KCHUNK
KB_PER_CHUNK = KCHUNK // BLOCK

ROWS = H * NB
SC_WORKERS = 32
RPW = ROWS // SC_WORKERS


def _prep_kernel(q_ref, k_ref, v_ref, sp_ref, cb_ref, qb_ref, kb_ref, vb_ref):
    q = q_ref[0]
    k = k_ref[0]
    qb_ref[0] = (q * (SCALE * LOG2E)).astype(jnp.bfloat16)
    kb_ref[0] = k.astype(jnp.bfloat16)
    vb_ref[0] = v_ref[0].astype(jnp.bfloat16)

    qp = q.reshape(NB, BLOCK, D).mean(axis=1)
    kp = k.reshape(NB, BLOCK, D).mean(axis=1)
    sraw = jax.lax.dot_general(qp, kp, (((1,), (1,)), ((), ())),
                               preferred_element_type=jnp.float32) * SCALE
    sp_ref[0] = sraw - sraw.max(axis=-1, keepdims=True)

    qsq = jnp.sum(q * q, axis=1).reshape(NB, BLOCK)
    qbmax = qsq.max(axis=1, keepdims=True)
    kmax = jnp.max(jnp.sum(k * k, axis=1))
    cb_ref[0] = (SCALE * jnp.sqrt(qbmax * kmax)).reshape(1, NB)


def _sc_mask_body(sp_ref, cb_ref, out_ref, srow, cbv, outv):
    w = lax.axis_index("s") * 2 + lax.axis_index("c")
    base = w * RPW
    pltpu.sync_copy(sp_ref.at[pl.ds(base, RPW)], srow)
    pltpu.sync_copy(cb_ref.at[pl.ds(base, RPW)], cbv.at[pl.ds(0, RPW)])
    cbvec = cbv[...]
    for r in range(RPW):
        row = srow[r]
        e = jnp.exp(row)
        idx = lax.iota(jnp.int32, 16)
        sk, sv = plsc.sort_key_val(e, idx, descending=True)
        cum = plsc.cumsum(sk)
        tot = cum[15]
        cnt_v = plsc.all_reduce_population_count(cum < ENERGY * tot)
        kk = jnp.clip(cnt_v[0], MIN_RETAIN, MAX_RETAIN)
        cbs = cbvec[r]
        vals = jnp.where(idx < kk, cbs, cbs + 1e30) * LOG2E
        plsc.store_scatter(outv, [jnp.full((16,), r, jnp.int32), sv], vals)
    pltpu.sync_copy(outv, out_ref.at[pl.ds(base, RPW)])


_sc_mask = pl.kernel(
    _sc_mask_body,
    out_type=jax.ShapeDtypeStruct((ROWS, NB), jnp.float32),
    mesh=plsc.VectorSubcoreMesh(core_axis_name="c", subcore_axis_name="s"),
    compiler_params=pltpu.CompilerParams(needs_layout_passes=False),
    scratch_types=[
        pltpu.VMEM((RPW, NB), jnp.float32),
        pltpu.VMEM((16,), jnp.float32),
        pltpu.VMEM((RPW, NB), jnp.float32),
    ],
)


def _attn_kernel(q_ref, k_ref, v_ref, cbm_ref, o_ref):
    q = q_ref[0]
    cbm = cbm_ref[0, 0]
    l = None
    acc = None
    for c in range(NKC):
        kc = k_ref[0, c * KCHUNK:(c + 1) * KCHUNK, :]
        s = jax.lax.dot_general(q, kc, (((1,), (1,)), ((), ())),
                                preferred_element_type=jnp.float32)
        sub = jnp.repeat(cbm[:, c * KB_PER_CHUNK:(c + 1) * KB_PER_CHUNK],
                         BLOCK, axis=1)
        pf = jnp.exp2(s.reshape(QB_PER_TILE, BLOCK, KCHUNK)
                      - sub[:, None, :]).reshape(QTILE, KCHUNK)
        ls = pf.sum(axis=1, keepdims=True)
        vc = v_ref[0, c * KCHUNK:(c + 1) * KCHUNK, :]
        pv = jax.lax.dot_general(pf.astype(jnp.bfloat16), vc,
                                 (((1,), (0,)), ((), ())),
                                 preferred_element_type=jnp.float32)
        if c == 0:
            l = ls
            acc = pv
        else:
            l = l + ls
            acc = acc + pv
    o_ref[0] = acc / l


@functools.partial(jax.jit, static_argnames=("interpret",))
def _run(q3, k3, v3, interpret=False):
    sp, cb, qb, kb, vb = pl.pallas_call(
        _prep_kernel,
        grid=(H,),
        in_specs=[
            pl.BlockSpec((1, S, D), lambda h: (h, 0, 0)),
            pl.BlockSpec((1, S, D), lambda h: (h, 0, 0)),
            pl.BlockSpec((1, S, D), lambda h: (h, 0, 0)),
        ],
        out_specs=[
            pl.BlockSpec((1, NB, NB), lambda h: (h, 0, 0)),
            pl.BlockSpec((1, 1, NB), lambda h: (h, 0, 0)),
            pl.BlockSpec((1, S, D), lambda h: (h, 0, 0)),
            pl.BlockSpec((1, S, D), lambda h: (h, 0, 0)),
            pl.BlockSpec((1, S, D), lambda h: (h, 0, 0)),
        ],
        out_shape=[
            jax.ShapeDtypeStruct((H, NB, NB), jnp.float32),
            jax.ShapeDtypeStruct((H, 1, NB), jnp.float32),
            jax.ShapeDtypeStruct((H, S, D), jnp.bfloat16),
            jax.ShapeDtypeStruct((H, S, D), jnp.bfloat16),
            jax.ShapeDtypeStruct((H, S, D), jnp.bfloat16),
        ],
        compiler_params=pltpu.CompilerParams(
            dimension_semantics=("parallel",)),
        interpret=interpret,
    )(q3, k3, v3)

    cbm = _sc_mask(sp.reshape(ROWS, NB), cb.reshape(ROWS))

    cbm4 = cbm.reshape(H, NQT, QB_PER_TILE, NB)

    o3 = pl.pallas_call(
        _attn_kernel,
        grid=(H, NQT),
        in_specs=[
            pl.BlockSpec((1, QTILE, D), lambda h, i: (h, i, 0)),
            pl.BlockSpec((1, S, D), lambda h, i: (h, 0, 0)),
            pl.BlockSpec((1, S, D), lambda h, i: (h, 0, 0)),
            pl.BlockSpec((1, 1, QB_PER_TILE, NB), lambda h, i: (h, i, 0, 0)),
        ],
        out_specs=pl.BlockSpec((1, QTILE, D), lambda h, i: (h, i, 0)),
        out_shape=jax.ShapeDtypeStruct((H, S, D), jnp.float32),
        compiler_params=pltpu.CompilerParams(
            dimension_semantics=("parallel", "parallel")),
        interpret=interpret,
    )(qb, kb, vb, cbm4)
    return o3


def kernel(q, k, v):
    q3 = q[0]
    k3 = k[0]
    v3 = v[0]
    return _run(q3, k3, v3)[None]

# --- scband reference (transcript-rebuilt; emitter-appended) ---
"""Pipeline reference for scband-adaptive-block-sparse-attn-train-11940009083203 (READ-ONLY COPY).

The authoritative reference and input builder live on the scoring server;
editing this copy changes nothing except your own understanding.
"""

import jax, jax.numpy as jnp
import numpy as np

BLOCK = 128

def _attn_pooling(q, k, scale, block):
    B, H, S, d = q.shape
    nb = S // block
    qp = q.reshape(B, H, nb, block, d).mean(axis=3)
    kp = k.reshape(B, H, nb, block, d).mean(axis=3)
    scores = jnp.einsum('bhid,bhjd->bhij', qp, kp) * scale
    return jax.nn.softmax(scores, axis=-1)

def _transfer_attn_to_mask(pooling, min_retain_ratio=0.05, max_retain_ratio=0.7, energy_threshold=0.95):
    B, H, nb, _ = pooling.shape
    min_retain = max(1, int(nb * min_retain_ratio))
    max_retain = max(1, int(nb * max_retain_ratio))
    idx = jnp.argsort(-pooling, axis=-1)
    sorted_attn = jnp.take_along_axis(pooling, idx, axis=-1)
    cum_energy = jnp.cumsum(sorted_attn, axis=-1)
    total_energy = cum_energy[..., -1:]
    energy_mask = (cum_energy >= energy_threshold * total_energy).astype(jnp.int32)
    k_indices = jnp.argmax(energy_mask, axis=-1)
    unsatisfied = cum_energy[..., -1] < energy_threshold * total_energy[..., 0]
    k_indices = jnp.where(unsatisfied, nb, k_indices)
    k_indices = jnp.clip(k_indices, min_retain, max_retain)
    pos = jnp.arange(nb)
    keep_sorted = pos[None, None, None, :] < k_indices[..., None]
    inv = jnp.argsort(idx, axis=-1)
    mask = jnp.take_along_axis(keep_sorted, inv, axis=-1)
    return mask

def _adaptive_block_sparse_attn(q, k, v):
    B, H, S, d = q.shape
    scale = 1.0 / np.sqrt(d)
    # mask generation path runs without gradient tracking (torch.no_grad)
    pooling = _attn_pooling(jax.lax.stop_gradient(q), jax.lax.stop_gradient(k), scale, BLOCK)
    mask = _transfer_attn_to_mask(pooling, min_retain_ratio=0.05, max_retain_ratio=0.7, energy_threshold=0.95)
    full_mask = jnp.repeat(jnp.repeat(mask, BLOCK, axis=2), BLOCK, axis=3)
    scores = jnp.einsum('bhid,bhjd->bhij', q, k) * scale
    scores = jnp.where(full_mask, scores, jnp.float32(-1e30))
    p = jax.nn.softmax(scores, axis=-1)
    out = jnp.einsum('bhij,bhjd->bhid', p, v)
    return out

def setup_inputs(seed: int = 0) -> dict:
    key = jax.random.key(seed)
    k1, k2, k3 = jax.random.split(key, 3)
    B, H, S, d = 1, 16, 2048, 128
    q = jax.random.normal(k1, (B, H, S, d), dtype=jnp.float32)
    k = jax.random.normal(k2, (B, H, S, d), dtype=jnp.float32)
    v = jax.random.normal(k3, (B, H, S, d), dtype=jnp.float32)
    return {"q": q, "k": k, "v": v}

def reference(q, k, v):
    return _adaptive_block_sparse_attn(q, k, v)

if __name__ == "__main__":
    import jax
    _d = setup_inputs()
    print(jax.jit(kernel)(*tuple(_d.values())))

</pallas_src>

<mosaic_0001>
#map = affine_map<(d0, d1) -> (0, 0)>
#map1 = affine_map<(d0, d1) -> (0)>
module attributes {stable_mosaic.version = 14 : i64} {
  func.func @_sc_mask_body(%arg0: i32, %arg1: i32, %arg2: memref<256x16xf32, #tpu.memory_space<hbm>>, %arg3: memref<256xf32, #tpu.memory_space<hbm>>, %arg4: memref<256x16xf32, #tpu.memory_space<hbm>>, %arg5: memref<8x16xf32, #tpu.memory_space<vmem>>, %arg6: memref<16xf32, #tpu.memory_space<vmem>>, %arg7: memref<8x16xf32, #tpu.memory_space<vmem>>) attributes {dimension_semantics = [#tpu.dimension_semantics<core_parallel>, #tpu.dimension_semantics<subcore_parallel>], iteration_bounds = array<i64: 2, 16>, scalar_prefetch = 0 : i64, scratch_operands = 3 : i64, tpu.core_type = #tpu.core_type<sc_vector_subcore>, window_params = [{transform_indices = #map}, {transform_indices = #map1}, {transform_indices = #map}]} {
    %mul3A = arith.constant 2 : i32
    %mul3A_0 = arith.muli %arg1, %mul3A : i32
    %add3A = arith.addi %mul3A_0, %arg0 : i32
    %mul3A_1 = arith.constant 8 : i32
    %mul3A_2 = arith.muli %add3A, %mul3A_1 : i32
    "tpu.region"() ({
      %run_scoped3A = tpu.sem_alloc : memref<!tpu.dma_semaphore, #tpu.memory_space<semaphore_mem>>
      %dma_start3A = arith.constant 0 : i32
      %dma_start3A_311 = tpu.memref_slice %arg2[%mul3A_2, %dma_start3A] : memref<256x16xf32, #tpu.memory_space<hbm>> -> memref<8x16xf32, #tpu.memory_space<hbm>>
      %dma_start3A_312 = arith.constant 0 : i32
      %dma_start3A_313 = tpu.memref_slice %arg2[%mul3A_2, %dma_start3A_312] : memref<256x16xf32, #tpu.memory_space<hbm>> -> memref<8x16xf32, #tpu.memory_space<hbm>>
      tpu.enqueue_dma source(%dma_start3A_313 : memref<8x16xf32, #tpu.memory_space<hbm>>) target(%arg5 : memref<8x16xf32, #tpu.memory_space<vmem>>) target_semaphore(%run_scoped3A : memref<!tpu.dma_semaphore, #tpu.memory_space<semaphore_mem>>)
      %dma_wait3A = arith.constant 0 : i32
      %dma_wait3A_314 = tpu.memref_slice %arg2[%mul3A_2, %dma_wait3A] : memref<256x16xf32, #tpu.memory_space<hbm>> -> memref<8x16xf32, #tpu.memory_space<hbm>>
      %dma_wait3A_315 = arith.constant 0 : i32
      %dma_wait3A_316 = tpu.memref_slice %arg2[%mul3A_2, %dma_wait3A_315] : memref<256x16xf32, #tpu.memory_space<hbm>> -> memref<8x16xf32, #tpu.memory_space<hbm>>
      tpu.wait_dma2 semaphore(%run_scoped3A : memref<!tpu.dma_semaphore, #tpu.memory_space<semaphore_mem>>) src(%dma_wait3A_316 : memref<8x16xf32, #tpu.memory_space<hbm>>) dst(%arg5 : memref<8x16xf32, #tpu.memory_space<vmem>>)
      tpu.yield
    }) : () -> ()
    "tpu.region"() ({
      %run_scoped3A = tpu.sem_alloc : memref<!tpu.dma_semaphore, #tpu.memory_space<semaphore_mem>>
      %dma_start3A = arith.constant 0 : i32
      %dma_start3A_311 = tpu.memref_slice %arg6[%dma_start3A] : memref<16xf32, #tpu.memory_space<vmem>> -> memref<8xf32, #tpu.memory_space<vmem>>
      %dma_start3A_312 = tpu.memref_slice %arg3[%mul3A_2] : memref<256xf32, #tpu.memory_space<hbm>> -> memref<8xf32, #tpu.memory_space<hbm>>
      %dma_start3A_313 = arith.constant 0 : i32
      %dma_start3A_314 = tpu.memref_slice %arg6[%dma_start3A_313] : memref<16xf32, #tpu.memory_space<vmem>> -> memref<8xf32, #tpu.memory_space<vmem>>
      %dma_start3A_315 = tpu.memref_slice %arg3[%mul3A_2] : memref<256xf32, #tpu.memory_space<hbm>> -> memref<8xf32, #tpu.memory_space<hbm>>
      tpu.enqueue_dma source(%dma_start3A_315 : memref<8xf32, #tpu.memory_space<hbm>>) target(%dma_start3A_314 : memref<8xf32, #tpu.memory_space<vmem>>) target_semaphore(%run_scoped3A : memref<!tpu.dma_semaphore, #tpu.memory_space<semaphore_mem>>)
      %dma_wait3A = arith.constant 0 : i32
      %dma_wait3A_316 = tpu.memref_slice %arg6[%dma_wait3A] : memref<16xf32, #tpu.memory_space<vmem>> -> memref<8xf32, #tpu.memory_space<vmem>>
      %dma_wait3A_317 = tpu.memref_slice %arg3[%mul3A_2] : memref<256xf32, #tpu.memory_space<hbm>> -> memref<8xf32, #tpu.memory_space<hbm>>
      %dma_wait3A_318 = arith.constant 0 : i32
      %dma_wait3A_319 = tpu.memref_slice %arg6[%dma_wait3A_318] : memref<16xf32, #tpu.memory_space<vmem>> -> memref<8xf32, #tpu.memory_space<vmem>>
      %dma_wait3A_320 = tpu.memref_slice %arg3[%mul3A_2] : memref<256xf32, #tpu.memory_space<hbm>> -> memref<8xf32, #tpu.memory_space<hbm>>
      tpu.wait_dma2 semaphore(%run_scoped3A : memref<!tpu.dma_semaphore, #tpu.memory_space<semaphore_mem>>) src(%dma_wait3A_320 : memref<8xf32, #tpu.memory_space<hbm>>) dst(%dma_wait3A_319 : memref<8xf32, #tpu.memory_space<vmem>>)
      tpu.yield
    }) : () -> ()
    %get3A = arith.constant 0 : index
    %get3A_3 = tpu.vector_load %arg6[%get3A] {strides = array<i32>} : memref<16xf32, #tpu.memory_space<vmem>>, vector<16xf32>,
    %get3A_4 = arith.constant 0 : i32
    %get3A_5 = arith.index_cast %get3A_4 : i32 to index
    %get3A_6 = arith.constant 0 : index
    %get3A_7 = tpu.vector_load %arg5[%get3A_5, %get3A_6] {strides = array<i32>} : memref<8x16xf32, #tpu.memory_space<vmem>>, vector<16xf32>,
    %exp3A = math.exp %get3A_7 : vector<16xf32>
    %iota3A = tpu.iota {dimensions = array<i32: 0>} : vector<16xi32>
    %masked_sort3A = arith.constant dense<true> : vector<16xi1>
    %masked_sort3A_8, %masked_sort3A_9, %masked_sort3A_10 = tpu.sort %exp3A, %iota3A masked %masked_sort3A {descending = true} : (vector<16xf32>, vector<16xi32>, vector<16xi1>) -> (vector<16xi1>, vector<16xf32>, vector<16xi32>)
    %broadcast_in_dim3A = arith.constant true
    %broadcast_in_dim3A_11 = vector.broadcast %broadcast_in_dim3A : i1 to vector<16xi1>
    %masked_cumsum3A = tpu.scan <sum>, %masked_sort3A_9 masked %broadcast_in_dim3A_11 : vector<16xf32>, vector<16xi1> -> vector<16xf32>
    %slice3A = vector.extract_strided_slice %masked_cumsum3A {offsets = [15], sizes = [1], strides = [1]} : vector<16xf32> to vector<1xf32>
    %squeeze3A = vector.extract %slice3A[0] : f32 from vector<1xf32>
    %mul3A_12 = arith.constant 0.949999988 : f32
    %mul3A_13 = arith.mulf %mul3A_12, %squeeze3A : f32
    %lt3A = vector.broadcast %mul3A_13 : f32 to vector<16xf32>
    %lt3A_14 = arith.cmpf olt, %masked_cumsum3A, %lt3A : vector<16xf32>
    %all_reduce_population_count3A = tpu.all_reduce %lt3A_14 {dim = 0 : i64, kind = #tpu.reduction_kind<sum>} : vector<16xi1> -> vector<16xi32>
    %slice3A_15 = vector.extract_strided_slice %all_reduce_population_count3A {offsets = [0], sizes = [1], strides = [1]} : vector<16xi32> to vector<1xi32>
    %squeeze3A_16 = vector.extract %slice3A_15[0] : i32 from vector<1xi32>
    %jit3A = arith.constant 1 : i32
    %jit3A_17 = arith.constant 11 : i32
    %max3A = arith.maxsi %jit3A, %squeeze3A_16 : i32
    %min3A = arith.minsi %jit3A_17, %max3A : i32
    %slice3A_18 = vector.extract_strided_slice %get3A_3 {offsets = [0], sizes = [1], strides = [1]} : vector<16xf32> to vector<1xf32>
    %squeeze3A_19 = vector.extract %slice3A_18[0] : f32 from vector<1xf32>
    %lt3A_20 = vector.broadcast %min3A : i32 to vector<16xi32>
    %lt3A_21 = arith.cmpi slt, %iota3A, %lt3A_20 : vector<16xi32>
    %add3A_22 = arith.constant 1.000000e+30 : f32
    %add3A_23 = arith.addf %squeeze3A_19, %add3A_22 : f32
    %broadcast_in_dim3A_24 = vector.broadcast %squeeze3A_19 : f32 to vector<16xf32>
    %broadcast_in_dim3A_25 = vector.broadcast %add3A_23 : f32 to vector<16xf32>
    %select_n3A = arith.select %lt3A_21, %broadcast_in_dim3A_24, %broadcast_in_dim3A_25 : vector<16xi1>, vector<16xf32>
    %mul3A_26 = arith.constant 1.44269502 : f32
    %mul3A_27 = vector.broadcast %mul3A_26 : f32 to vector<16xf32>
    %mul3A_28 = arith.mulf %select_n3A, %mul3A_27 : vector<16xf32>
    %broadcast_in_dim3A_29 = arith.constant 0 : i32
    %broadcast_in_dim3A_30 = vector.broadcast %broadcast_in_dim3A_29 : i32 to vector<16xi32>
    tpu.vector_store_idx %arg7[%broadcast_in_dim3A_30, %masked_sort3A_10], %mul3A_28 : memref<8x16xf32, #tpu.memory_space<vmem>>[vector<16xi32>, vector<16xi32>], vector<16xf32>,
    %get3A_31 = arith.constant 1 : i32
    %get3A_32 = arith.index_cast %get3A_31 : i32 to index
    %get3A_33 = arith.constant 0 : index
    %get3A_34 = tpu.vector_load %arg5[%get3A_32, %get3A_33] {strides = array<i32>} : memref<8x16xf32, #tpu.memory_space<vmem>>, vector<16xf32>,
    %exp3A_35 = math.exp %get3A_34 : vector<16xf32>
    %iota3A_36 = tpu.iota {dimensions = array<i32: 0>} : vector<16xi32>
    %masked_sort3A_37 = arith.constant dense<true> : vector<16xi1>
    %masked_sort3A_38, %masked_sort3A_39, %masked_sort3A_40 = tpu.sort %exp3A_35, %iota3A_36 masked %masked_sort3A_37 {descending = true} : (vector<16xf32>, vector<16xi32>, vector<16xi1>) -> (vector<16xi1>, vector<16xf32>, vector<16xi32>)
    %broadcast_in_dim3A_41 = arith.constant true
    %broadcast_in_dim3A_42 = vector.broadcast %broadcast_in_dim3A_41 : i1 to vector<16xi1>
    %masked_cumsum3A_43 = tpu.scan <sum>, %masked_sort3A_39 masked %broadcast_in_dim3A_42 : vector<16xf32>, vector<16xi1> -> vector<16xf32>
    %slice3A_44 = vector.extract_strided_slice %masked_cumsum3A_43 {offsets = [15], sizes = [1], strides = [1]} : vector<16xf32> to vector<1xf32>
    %squeeze3A_45 = vector.extract %slice3A_44[0] : f32 from vector<1xf32>
    %mul3A_46 = arith.constant 0.949999988 : f32
    %mul3A_47 = arith.mulf %mul3A_46, %squeeze3A_45 : f32
    %lt3A_48 = vector.broadcast %mul3A_47 : f32 to vector<16xf32>
    %lt3A_49 = arith.cmpf olt, %masked_cumsum3A_43, %lt3A_48 : vector<16xf32>
    %all_reduce_population_count3A_50 = tpu.all_reduce %lt3A_49 {dim = 0 : i64, kind = #tpu.reduction_kind<sum>} : vector<16xi1> -> vector<16xi32>
    %slice3A_51 = vector.extract_strided_slice %all_reduce_population_count3A_50 {offsets = [0], sizes = [1], strides = [1]} : vector<16xi32> to vector<1xi32>
    %squeeze3A_52 = vector.extract %slice3A_51[0] : i32 from vector<1xi32>
    %jit3A_53 = arith.constant 1 : i32
    %jit3A_54 = arith.constant 11 : i32
    %max3A_55 = arith.maxsi %jit3A_53, %squeeze3A_52 : i32
    %min3A_56 = arith.minsi %jit3A_54, %max3A_55 : i32
    %slice3A_57 = vector.extract_strided_slice %get3A_3 {offsets = [1], sizes = [1], strides = [1]} : vector<16xf32> to vector<1xf32>
    %squeeze3A_58 = vector.extract %slice3A_57[0] : f32 from vector<1xf32>
    %lt3A_59 = vector.broadcast %min3A_56 : i32 to vector<16xi32>
    %lt3A_60 = arith.cmpi slt, %iota3A_36, %lt3A_59 : vector<16xi32>
    %add3A_61 = arith.constant 1.000000e+30 : f32
    %add3A_62 = arith.addf %squeeze3A_58, %add3A_61 : f32
    %broadcast_in_dim3A_63 = vector.broadcast %squeeze3A_58 : f32 to vector<16xf32>
    %broadcast_in_dim3A_64 = vector.broadcast %add3A_62 : f32 to vector<16xf32>
    %select_n3A_65 = arith.select %lt3A_60, %broadcast_in_dim3A_63, %broadcast_in_dim3A_64 : vector<16xi1>, vector<16xf32>
    %mul3A_66 = arith.constant 1.44269502 : f32
    %mul3A_67 = vector.broadcast %mul3A_66 : f32 to vector<16xf32>
    %mul3A_68 = arith.mulf %select_n3A_65, %mul3A_67 : vector<16xf32>
    %broadcast_in_dim3A_69 = arith.constant 1 : i32
    %broadcast_in_dim3A_70 = vector.broadcast %broadcast_in_dim3A_69 : i32 to vector<16xi32>
    tpu.vector_store_idx %arg7[%broadcast_in_dim3A_70, %masked_sort3A_40], %mul3A_68 : memref<8x16xf32, #tpu.memory_space<vmem>>[vector<16xi32>, vector<16xi32>], vector<16xf32>,
    %get3A_71 = arith.constant 2 : i32
    %get3A_72 = arith.index_cast %get3A_71 : i32 to index
    %get3A_73 = arith.constant 0 : index
    %get3A_74 = tpu.vector_load %arg5[%get3A_72, %get3A_73] {strides = array<i32>} : memref<8x16xf32, #tpu.memory_space<vmem>>, vector<16xf32>,
    %exp3A_75 = math.exp %get3A_74 : vector<16xf32>
    %iota3A_76 = tpu.iota {dimensions = array<i32: 0>} : vector<16xi32>
    %masked_sort3A_77 = arith.constant dense<true> : vector<16xi1>
    %masked_sort3A_78, %masked_sort3A_79, %masked_sort3A_80 = tpu.sort %exp3A_75, %iota3A_76 masked %masked_sort3A_77 {descending = true} : (vector<16xf32>, vector<16xi32>, vector<16xi1>) -> (vector<16xi1>, vector<16xf32>, vector<16xi32>)
    %broadcast_in_dim3A_81 = arith.constant true
    %broadcast_in_dim3A_82 = vector.broadcast %broadcast_in_dim3A_81 : i1 to vector<16xi1>
    %masked_cumsum3A_83 = tpu.scan <sum>, %masked_sort3A_79 masked %broadcast_in_dim3A_82 : vector<16xf32>, vector<16xi1> -> vector<16xf32>
    %slice3A_84 = vector.extract_strided_slice %masked_cumsum3A_83 {offsets = [15], sizes = [1], strides = [1]} : vector<16xf32> to vector<1xf32>
    %squeeze3A_85 = vector.extract %slice3A_84[0] : f32 from vector<1xf32>
    %mul3A_86 = arith.constant 0.949999988 : f32
    %mul3A_87 = arith.mulf %mul3A_86, %squeeze3A_85 : f32
    %lt3A_88 = vector.broadcast %mul3A_87 : f32 to vector<16xf32>
    %lt3A_89 = arith.cmpf olt, %masked_cumsum3A_83, %lt3A_88 : vector<16xf32>
    %all_reduce_population_count3A_90 = tpu.all_reduce %lt3A_89 {dim = 0 : i64, kind = #tpu.reduction_kind<sum>} : vector<16xi1> -> vector<16xi32>
    %slice3A_91 = vector.extract_strided_slice %all_reduce_population_count3A_90 {offsets = [0], sizes = [1], strides = [1]} : vector<16xi32> to vector<1xi32>
    %squeeze3A_92 = vector.extract %slice3A_91[0] : i32 from vector<1xi32>
    %jit3A_93 = arith.constant 1 : i32
    %jit3A_94 = arith.constant 11 : i32
    %max3A_95 = arith.maxsi %jit3A_93, %squeeze3A_92 : i32
    %min3A_96 = arith.minsi %jit3A_94, %max3A_95 : i32
    %slice3A_97 = vector.extract_strided_slice %get3A_3 {offsets = [2], sizes = [1], strides = [1]} : vector<16xf32> to vector<1xf32>
    %squeeze3A_98 = vector.extract %slice3A_97[0] : f32 from vector<1xf32>
    %lt3A_99 = vector.broadcast %min3A_96 : i32 to vector<16xi32>
    %lt3A_100 = arith.cmpi slt, %iota3A_76, %lt3A_99 : vector<16xi32>
    %add3A_101 = arith.constant 1.000000e+30 : f32
    %add3A_102 = arith.addf %squeeze3A_98, %add3A_101 : f32
    %broadcast_in_dim3A_103 = vector.broadcast %squeeze3A_98 : f32 to vector<16xf32>
    %broadcast_in_dim3A_104 = vector.broadcast %add3A_102 : f32 to vector<16xf32>
    %select_n3A_105 = arith.select %lt3A_100, %broadcast_in_dim3A_103, %broadcast_in_dim3A_104 : vector<16xi1>, vector<16xf32>
    %mul3A_106 = arith.constant 1.44269502 : f32
    %mul3A_107 = vector.broadcast %mul3A_106 : f32 to vector<16xf32>
    %mul3A_108 = arith.mulf %select_n3A_105, %mul3A_107 : vector<16xf32>
    %broadcast_in_dim3A_109 = arith.constant 2 : i32
    %broadcast_in_dim3A_110 = vector.broadcast %broadcast_in_dim3A_109 : i32 to vector<16xi32>
    tpu.vector_store_idx %arg7[%broadcast_in_dim3A_110, %masked_sort3A_80], %mul3A_108 : memref<8x16xf32, #tpu.memory_space<vmem>>[vector<16xi32>, vector<16xi32>], vector<16xf32>,
    %get3A_111 = arith.constant 3 : i32
    %get3A_112 = arith.index_cast %get3A_111 : i32 to index
    %get3A_113 = arith.constant 0 : index
    %get3A_114 = tpu.vector_load %arg5[%get3A_112, %get3A_113] {strides = array<i32>} : memref<8x16xf32, #tpu.memory_space<vmem>>, vector<16xf32>,
    %exp3A_115 = math.exp %get3A_114 : vector<16xf32>
    %iota3A_116 = tpu.iota {dimensions = array<i32: 0>} : vector<16xi32>
    %masked_sort3A_117 = arith.constant dense<true> : vector<16xi1>
    %masked_sort3A_118, %masked_sort3A_119, %masked_sort3A_120 = tpu.sort %exp3A_115, %iota3A_116 masked %masked_sort3A_117 {descending = true} : (vector<16xf32>, vector<16xi32>, vector<16xi1>) -> (vector<16xi1>, vector<16xf32>, vector<16xi32>)
    %broadcast_in_dim3A_121 = arith.constant true
    %broadcast_in_dim3A_122 = vector.broadcast %broadcast_in_dim3A_121 : i1 to vector<16xi1>
    %masked_cumsum3A_123 = tpu.scan <sum>, %masked_sort3A_119 masked %broadcast_in_dim3A_122 : vector<16xf32>, vector<16xi1> -> vector<16xf32>
    %slice3A_124 = vector.extract_strided_slice %masked_cumsum3A_123 {offsets = [15], sizes = [1], strides = [1]} : vector<16xf32> to vector<1xf32>
    %squeeze3A_125 = vector.extract %slice3A_124[0] : f32 from vector<1xf32>
    %mul3A_126 = arith.constant 0.949999988 : f32
    %mul3A_127 = arith.mulf %mul3A_126, %squeeze3A_125 : f32
    %lt3A_128 = vector.broadcast %mul3A_127 : f32 to vector<16xf32>
    %lt3A_129 = arith.cmpf olt, %masked_cumsum3A_123, %lt3A_128 : vector<16xf32>
    %all_reduce_population_count3A_130 = tpu.all_reduce %lt3A_129 {dim = 0 : i64, kind = #tpu.reduction_kind<sum>} : vector<16xi1> -> vector<16xi32>
    %slice3A_131 = vector.extract_strided_slice %all_reduce_population_count3A_130 {offsets = [0], sizes = [1], strides = [1]} : vector<16xi32> to vector<1xi32>
    %squeeze3A_132 = vector.extract %slice3A_131[0] : i32 from vector<1xi32>
    %jit3A_133 = arith.constant 1 : i32
    %jit3A_134 = arith.constant 11 : i32
    %max3A_135 = arith.maxsi %jit3A_133, %squeeze3A_132 : i32
    %min3A_136 = arith.minsi %jit3A_134, %max3A_135 : i32
    %slice3A_137 = vector.extract_strided_slice %get3A_3 {offsets = [3], sizes = [1], strides = [1]} : vector<16xf32> to vector<1xf32>
    %squeeze3A_138 = vector.extract %slice3A_137[0] : f32 from vector<1xf32>
    %lt3A_139 = vector.broadcast %min3A_136 : i32 to vector<16xi32>
    %lt3A_140 = arith.cmpi slt, %iota3A_116, %lt3A_139 : vector<16xi32>
    %add3A_141 = arith.constant 1.000000e+30 : f32
    %add3A_142 = arith.addf %squeeze3A_138, %add3A_141 : f32
    %broadcast_in_dim3A_143 = vector.broadcast %squeeze3A_138 : f32 to vector<16xf32>
    %broadcast_in_dim3A_144 = vector.broadcast %add3A_142 : f32 to vector<16xf32>
    %select_n3A_145 = arith.select %lt3A_140, %broadcast_in_dim3A_143, %broadcast_in_dim3A_144 : vector<16xi1>, vector<16xf32>
    %mul3A_146 = arith.constant 1.44269502 : f32
    %mul3A_147 = vector.broadcast %mul3A_146 : f32 to vector<16xf32>
    %mul3A_148 = arith.mulf %select_n3A_145, %mul3A_147 : vector<16xf32>
    %broadcast_in_dim3A_149 = arith.constant 3 : i32
    %broadcast_in_dim3A_150 = vector.broadcast %broadcast_in_dim3A_149 : i32 to vector<16xi32>
    tpu.vector_store_idx %arg7[%broadcast_in_dim3A_150, %masked_sort3A_120], %mul3A_148 : memref<8x16xf32, #tpu.memory_space<vmem>>[vector<16xi32>, vector<16xi32>], vector<16xf32>,
    %get3A_151 = arith.constant 4 : i32
    %get3A_152 = arith.index_cast %get3A_151 : i32 to index
    %get3A_153 = arith.constant 0 : index
    %get3A_154 = tpu.vector_load %arg5[%get3A_152, %get3A_153] {strides = array<i32>} : memref<8x16xf32, #tpu.memory_space<vmem>>, vector<16xf32>,
    %exp3A_155 = math.exp %get3A_154 : vector<16xf32>
    %iota3A_156 = tpu.iota {dimensions = array<i32: 0>} : vector<16xi32>
    %masked_sort3A_157 = arith.constant dense<true> : vector<16xi1>
    %masked_sort3A_158, %masked_sort3A_159, %masked_sort3A_160 = tpu.sort %exp3A_155, %iota3A_156 masked %masked_sort3A_157 {descending = true} : (vector<16xf32>, vector<16xi32>, vector<16xi1>) -> (vector<16xi1>, vector<16xf32>, vector<16xi32>)
    %broadcast_in_dim3A_161 = arith.constant true
    %broadcast_in_dim3A_162 = vector.broadcast %broadcast_in_dim3A_161 : i1 to vector<16xi1>
    %masked_cumsum3A_163 = tpu.scan <sum>, %masked_sort3A_159 masked %broadcast_in_dim3A_162 : vector<16xf32>, vector<16xi1> -> vector<16xf32>
    %slice3A_164 = vector.extract_strided_slice %masked_cumsum3A_163 {offsets = [15], sizes = [1], strides = [1]} : vector<16xf32> to vector<1xf32>
    %squeeze3A_165 = vector.extract %slice3A_164[0] : f32 from vector<1xf32>
    %mul3A_166 = arith.constant 0.949999988 : f32
    %mul3A_167 = arith.mulf %mul3A_166, %squeeze3A_165 : f32
    %lt3A_168 = vector.broadcast %mul3A_167 : f32 to vector<16xf32>
    %lt3A_169 = arith.cmpf olt, %masked_cumsum3A_163, %lt3A_168 : vector<16xf32>
    %all_reduce_population_count3A_170 = tpu.all_reduce %lt3A_169 {dim = 0 : i64, kind = #tpu.reduction_kind<sum>} : vector<16xi1> -> vector<16xi32>
    %slice3A_171 = vector.extract_strided_slice %all_reduce_population_count3A_170 {offsets = [0], sizes = [1], strides = [1]} : vector<16xi32> to vector<1xi32>
    %squeeze3A_172 = vector.extract %slice3A_171[0] : i32 from vector<1xi32>
    %jit3A_173 = arith.constant 1 : i32
    %jit3A_174 = arith.constant 11 : i32
    %max3A_175 = arith.maxsi %jit3A_173, %squeeze3A_172 : i32
    %min3A_176 = arith.minsi %jit3A_174, %max3A_175 : i32
    %slice3A_177 = vector.extract_strided_slice %get3A_3 {offsets = [4], sizes = [1], strides = [1]} : vector<16xf32> to vector<1xf32>
    %squeeze3A_178 = vector.extract %slice3A_177[0] : f32 from vector<1xf32>
    %lt3A_179 = vector.broadcast %min3A_176 : i32 to vector<16xi32>
    %lt3A_180 = arith.cmpi slt, %iota3A_156, %lt3A_179 : vector<16xi32>
    %add3A_181 = arith.constant 1.000000e+30 : f32
    %add3A_182 = arith.addf %squeeze3A_178, %add3A_181 : f32
    %broadcast_in_dim3A_183 = vector.broadcast %squeeze3A_178 : f32 to vector<16xf32>
    %broadcast_in_dim3A_184 = vector.broadcast %add3A_182 : f32 to vector<16xf32>
    %select_n3A_185 = arith.select %lt3A_180, %broadcast_in_dim3A_183, %broadcast_in_dim3A_184 : vector<16xi1>, vector<16xf32>
    %mul3A_186 = arith.constant 1.44269502 : f32
    %mul3A_187 = vector.broadcast %mul3A_186 : f32 to vector<16xf32>
    %mul3A_188 = arith.mulf %select_n3A_185, %mul3A_187 : vector<16xf32>
    %broadcast_in_dim3A_189 = arith.constant 4 : i32
    %broadcast_in_dim3A_190 = vector.broadcast %broadcast_in_dim3A_189 : i32 to vector<16xi32>
    tpu.vector_store_idx %arg7[%broadcast_in_dim3A_190, %masked_sort3A_160], %mul3A_188 : memref<8x16xf32, #tpu.memory_space<vmem>>[vector<16xi32>, vector<16xi32>], vector<16xf32>,
    %get3A_191 = arith.constant 5 : i32
    %get3A_192 = arith.index_cast %get3A_191 : i32 to index
    %get3A_193 = arith.constant 0 : index
    %get3A_194 = tpu.vector_load %arg5[%get3A_192, %get3A_193] {strides = array<i32>} : memref<8x16xf32, #tpu.memory_space<vmem>>, vector<16xf32>,
    %exp3A_195 = math.exp %get3A_194 : vector<16xf32>
    %iota3A_196 = tpu.iota {dimensions = array<i32: 0>} : vector<16xi32>
    %masked_sort3A_197 = arith.constant dense<true> : vector<16xi1>
    %masked_sort3A_198, %masked_sort3A_199, %masked_sort3A_200 = tpu.sort %exp3A_195, %iota3A_196 masked %masked_sort3A_197 {descending = true} : (vector<16xf32>, vector<16xi32>, vector<16xi1>) -> (vector<16xi1>, vector<16xf32>, vector<16xi32>)
    %broadcast_in_dim3A_201 = arith.constant true
    %broadcast_in_dim3A_202 = vector.broadcast %broadcast_in_dim3A_201 : i1 to vector<16xi1>
    %masked_cumsum3A_203 = tpu.scan <sum>, %masked_sort3A_199 masked %broadcast_in_dim3A_202 : vector<16xf32>, vector<16xi1> -> vector<16xf32>
    %slice3A_204 = vector.extract_strided_slice %masked_cumsum3A_203 {offsets = [15], sizes = [1], strides = [1]} : vector<16xf32> to vector<1xf32>
    %squeeze3A_205 = vector.extract %slice3A_204[0] : f32 from vector<1xf32>
    %mul3A_206 = arith.constant 0.949999988 : f32
    %mul3A_207 = arith.mulf %mul3A_206, %squeeze3A_205 : f32
    %lt3A_208 = vector.broadcast %mul3A_207 : f32 to vector<16xf32>
    %lt3A_209 = arith.cmpf olt, %masked_cumsum3A_203, %lt3A_208 : vector<16xf32>
    %all_reduce_population_count3A_210 = tpu.all_reduce %lt3A_209 {dim = 0 : i64, kind = #tpu.reduction_kind<sum>} : vector<16xi1> -> vector<16xi32>
    %slice3A_211 = vector.extract_strided_slice %all_reduce_population_count3A_210 {offsets = [0], sizes = [1], strides = [1]} : vector<16xi32> to vector<1xi32>
    %squeeze3A_212 = vector.extract %slice3A_211[0] : i32 from vector<1xi32>
    %jit3A_213 = arith.constant 1 : i32
    %jit3A_214 = arith.constant 11 : i32
    %max3A_215 = arith.maxsi %jit3A_213, %squeeze3A_212 : i32
    %min3A_216 = arith.minsi %jit3A_214, %max3A_215 : i32
    %slice3A_217 = vector.extract_strided_slice %get3A_3 {offsets = [5], sizes = [1], strides = [1]} : vector<16xf32> to vector<1xf32>
    %squeeze3A_218 = vector.extract %slice3A_217[0] : f32 from vector<1xf32>
    %lt3A_219 = vector.broadcast %min3A_216 : i32 to vector<16xi32>
    %lt3A_220 = arith.cmpi slt, %iota3A_196, %lt3A_219 : vector<16xi32>
    %add3A_221 = arith.constant 1.000000e+30 : f32
    %add3A_222 = arith.addf %squeeze3A_218, %add3A_221 : f32
    %broadcast_in_dim3A_223 = vector.broadcast %squeeze3A_218 : f32 to vector<16xf32>
    %broadcast_in_dim3A_224 = vector.broadcast %add3A_222 : f32 to vector<16xf32>
    %select_n3A_225 = arith.select %lt3A_220, %broadcast_in_dim3A_223, %broadcast_in_dim3A_224 : vector<16xi1>, vector<16xf32>
    %mul3A_226 = arith.constant 1.44269502 : f32
    %mul3A_227 = vector.broadcast %mul3A_226 : f32 to vector<16xf32>
    %mul3A_228 = arith.mulf %select_n3A_225, %mul3A_227 : vector<16xf32>
    %broadcast_in_dim3A_229 = arith.constant 5 : i32
    %broadcast_in_dim3A_230 = vector.broadcast %broadcast_in_dim3A_229 : i32 to vector<16xi32>
    tpu.vector_store_idx %arg7[%broadcast_in_dim3A_230, %masked_sort3A_200], %mul3A_228 : memref<8x16xf32, #tpu.memory_space<vmem>>[vector<16xi32>, vector<16xi32>], vector<16xf32>,
    %get3A_231 = arith.constant 6 : i32
    %get3A_232 = arith.index_cast %get3A_231 : i32 to index
    %get3A_233 = arith.constant 0 : index
    %get3A_234 = tpu.vector_load %arg5[%get3A_232, %get3A_233] {strides = array<i32>} : memref<8x16xf32, #tpu.memory_space<vmem>>, vector<16xf32>,
    %exp3A_235 = math.exp %get3A_234 : vector<16xf32>
    %iota3A_236 = tpu.iota {dimensions = array<i32: 0>} : vector<16xi32>
    %masked_sort3A_237 = arith.constant dense<true> : vector<16xi1>
    %masked_sort3A_238, %masked_sort3A_239, %masked_sort3A_240 = tpu.sort %exp3A_235, %iota3A_236 masked %masked_sort3A_237 {descending = true} : (vector<16xf32>, vector<16xi32>, vector<16xi1>) -> (vector<16xi1>, vector<16xf32>, vector<16xi32>)
    %broadcast_in_dim3A_241 = arith.constant true
    %broadcast_in_dim3A_242 = vector.broadcast %broadcast_in_dim3A_241 : i1 to vector<16xi1>
    %masked_cumsum3A_243 = tpu.scan <sum>, %masked_sort3A_239 masked %broadcast_in_dim3A_242 : vector<16xf32>, vector<16xi1> -> vector<16xf32>
    %slice3A_244 = vector.extract_strided_slice %masked_cumsum3A_243 {offsets = [15], sizes = [1], strides = [1]} : vector<16xf32> to vector<1xf32>
    %squeeze3A_245 = vector.extract %slice3A_244[0] : f32 from vector<1xf32>
    %mul3A_246 = arith.constant 0.949999988 : f32
    %mul3A_247 = arith.mulf %mul3A_246, %squeeze3A_245 : f32
    %lt3A_248 = vector.broadcast %mul3A_247 : f32 to vector<16xf32>
    %lt3A_249 = arith.cmpf olt, %masked_cumsum3A_243, %lt3A_248 : vector<16xf32>
    %all_reduce_population_count3A_250 = tpu.all_reduce %lt3A_249 {dim = 0 : i64, kind = #tpu.reduction_kind<sum>} : vector<16xi1> -> vector<16xi32>
    %slice3A_251 = vector.extract_strided_slice %all_reduce_population_count3A_250 {offsets = [0], sizes = [1], strides = [1]} : vector<16xi32> to vector<1xi32>
    %squeeze3A_252 = vector.extract %slice3A_251[0] : i32 from vector<1xi32>
    %jit3A_253 = arith.constant 1 : i32
    %jit3A_254 = arith.constant 11 : i32
    %max3A_255 = arith.maxsi %jit3A_253, %squeeze3A_252 : i32
    %min3A_256 = arith.minsi %jit3A_254, %max3A_255 : i32
    %slice3A_257 = vector.extract_strided_slice %get3A_3 {offsets = [6], sizes = [1], strides = [1]} : vector<16xf32> to vector<1xf32>
    %squeeze3A_258 = vector.extract %slice3A_257[0] : f32 from vector<1xf32>
    %lt3A_259 = vector.broadcast %min3A_256 : i32 to vector<16xi32>
    %lt3A_260 = arith.cmpi slt, %iota3A_236, %lt3A_259 : vector<16xi32>
    %add3A_261 = arith.constant 1.000000e+30 : f32
    %add3A_262 = arith.addf %squeeze3A_258, %add3A_261 : f32
    %broadcast_in_dim3A_263 = vector.broadcast %squeeze3A_258 : f32 to vector<16xf32>
    %broadcast_in_dim3A_264 = vector.broadcast %add3A_262 : f32 to vector<16xf32>
    %select_n3A_265 = arith.select %lt3A_260, %broadcast_in_dim3A_263, %broadcast_in_dim3A_264 : vector<16xi1>, vector<16xf32>
    %mul3A_266 = arith.constant 1.44269502 : f32
    %mul3A_267 = vector.broadcast %mul3A_266 : f32 to vector<16xf32>
    %mul3A_268 = arith.mulf %select_n3A_265, %mul3A_267 : vector<16xf32>
    %broadcast_in_dim3A_269 = arith.constant 6 : i32
    %broadcast_in_dim3A_270 = vector.broadcast %broadcast_in_dim3A_269 : i32 to vector<16xi32>
    tpu.vector_store_idx %arg7[%broadcast_in_dim3A_270, %masked_sort3A_240], %mul3A_268 : memref<8x16xf32, #tpu.memory_space<vmem>>[vector<16xi32>, vector<16xi32>], vector<16xf32>,
    %get3A_271 = arith.constant 7 : i32
    %get3A_272 = arith.index_cast %get3A_271 : i32 to index
    %get3A_273 = arith.constant 0 : index
    %get3A_274 = tpu.vector_load %arg5[%get3A_272, %get3A_273] {strides = array<i32>} : memref<8x16xf32, #tpu.memory_space<vmem>>, vector<16xf32>,
    %exp3A_275 = math.exp %get3A_274 : vector<16xf32>
    %iota3A_276 = tpu.iota {dimensions = array<i32: 0>} : vector<16xi32>
    %masked_sort3A_277 = arith.constant dense<true> : vector<16xi1>
    %masked_sort3A_278, %masked_sort3A_279, %masked_sort3A_280 = tpu.sort %exp3A_275, %iota3A_276 masked %masked_sort3A_277 {descending = true} : (vector<16xf32>, vector<16xi32>, vector<16xi1>) -> (vector<16xi1>, vector<16xf32>, vector<16xi32>)
    %broadcast_in_dim3A_281 = arith.constant true
    %broadcast_in_dim3A_282 = vector.broadcast %broadcast_in_dim3A_281 : i1 to vector<16xi1>
    %masked_cumsum3A_283 = tpu.scan <sum>, %masked_sort3A_279 masked %broadcast_in_dim3A_282 : vector<16xf32>, vector<16xi1> -> vector<16xf32>
    %slice3A_284 = vector.extract_strided_slice %masked_cumsum3A_283 {offsets = [15], sizes = [1], strides = [1]} : vector<16xf32> to vector<1xf32>
    %squeeze3A_285 = vector.extract %slice3A_284[0] : f32 from vector<1xf32>
    %mul3A_286 = arith.constant 0.949999988 : f32
    %mul3A_287 = arith.mulf %mul3A_286, %squeeze3A_285 : f32
    %lt3A_288 = vector.broadcast %mul3A_287 : f32 to vector<16xf32>
    %lt3A_289 = arith.cmpf olt, %masked_cumsum3A_283, %lt3A_288 : vector<16xf32>
    %all_reduce_population_count3A_290 = tpu.all_reduce %lt3A_289 {dim = 0 : i64, kind = #tpu.reduction_kind<sum>} : vector<16xi1> -> vector<16xi32>
    %slice3A_291 = vector.extract_strided_slice %all_reduce_population_count3A_290 {offsets = [0], sizes = [1], strides = [1]} : vector<16xi32> to vector<1xi32>
    %squeeze3A_292 = vector.extract %slice3A_291[0] : i32 from vector<1xi32>
    %jit3A_293 = arith.constant 1 : i32
    %jit3A_294 = arith.constant 11 : i32
    %max3A_295 = arith.maxsi %jit3A_293, %squeeze3A_292 : i32
    %min3A_296 = arith.minsi %jit3A_294, %max3A_295 : i32
    %slice3A_297 = vector.extract_strided_slice %get3A_3 {offsets = [7], sizes = [1], strides = [1]} : vector<16xf32> to vector<1xf32>
    %squeeze3A_298 = vector.extract %slice3A_297[0] : f32 from vector<1xf32>
    %lt3A_299 = vector.broadcast %min3A_296 : i32 to vector<16xi32>
    %lt3A_300 = arith.cmpi slt, %iota3A_276, %lt3A_299 : vector<16xi32>
    %add3A_301 = arith.constant 1.000000e+30 : f32
    %add3A_302 = arith.addf %squeeze3A_298, %add3A_301 : f32
    %broadcast_in_dim3A_303 = vector.broadcast %squeeze3A_298 : f32 to vector<16xf32>
    %broadcast_in_dim3A_304 = vector.broadcast %add3A_302 : f32 to vector<16xf32>
    %select_n3A_305 = arith.select %lt3A_300, %broadcast_in_dim3A_303, %broadcast_in_dim3A_304 : vector<16xi1>, vector<16xf32>
    %mul3A_306 = arith.constant 1.44269502 : f32
    %mul3A_307 = vector.broadcast %mul3A_306 : f32 to vector<16xf32>
    %mul3A_308 = arith.mulf %select_n3A_305, %mul3A_307 : vector<16xf32>
    %broadcast_in_dim3A_309 = arith.constant 7 : i32
    %broadcast_in_dim3A_310 = vector.broadcast %broadcast_in_dim3A_309 : i32 to vector<16xi32>
    tpu.vector_store_idx %arg7[%broadcast_in_dim3A_310, %masked_sort3A_280], %mul3A_308 : memref<8x16xf32, #tpu.memory_space<vmem>>[vector<16xi32>, vector<16xi32>], vector<16xf32>,
    "tpu.region"() ({
      %run_scoped3A = tpu.sem_alloc : memref<!tpu.dma_semaphore, #tpu.memory_space<semaphore_mem>>
      %dma_start3A = arith.constant 0 : i32
      %dma_start3A_311 = tpu.memref_slice %arg4[%mul3A_2, %dma_start3A] : memref<256x16xf32, #tpu.memory_space<hbm>> -> memref<8x16xf32, #tpu.memory_space<hbm>>
      %dma_start3A_312 = arith.constant 0 : i32
      %dma_start3A_313 = tpu.memref_slice %arg4[%mul3A_2, %dma_start3A_312] : memref<256x16xf32, #tpu.memory_space<hbm>> -> memref<8x16xf32, #tpu.memory_space<hbm>>
      tpu.enqueue_dma source(%arg7 : memref<8x16xf32, #tpu.memory_space<vmem>>) target(%dma_start3A_313 : memref<8x16xf32, #tpu.memory_space<hbm>>) target_semaphore(%run_scoped3A : memref<!tpu.dma_semaphore, #tpu.memory_space<semaphore_mem>>)
      %dma_wait3A = arith.constant 0 : i32
      %dma_wait3A_314 = tpu.memref_slice %arg4[%mul3A_2, %dma_wait3A] : memref<256x16xf32, #tpu.memory_space<hbm>> -> memref<8x16xf32, #tpu.memory_space<hbm>>
      %dma_wait3A_315 = arith.constant 0 : i32
      %dma_wait3A_316 = tpu.memref_slice %arg4[%mul3A_2, %dma_wait3A_315] : memref<256x16xf32, #tpu.memory_space<hbm>> -> memref<8x16xf32, #tpu.memory_space<hbm>>
      tpu.wait_dma2 semaphore(%run_scoped3A : memref<!tpu.dma_semaphore, #tpu.memory_space<semaphore_mem>>) src(%arg7 : memref<8x16xf32, #tpu.memory_space<vmem>>) dst(%dma_wait3A_316 : memref<8x16xf32, #tpu.memory_space<hbm>>)
      tpu.yield
    }) : () -> ()
    return
  }
}

module attributes {stable_mosaic.version = 14 : i64} {
  func.func @_attn_kernel(%arg0: i32, %arg1: i32, %arg2: memref<1x2048x128xbf16, #tpu.memory_space<vmem>>, %arg3: memref<1x2048x128xbf16, #tpu.memory_space<vmem>>, %arg4: memref<1x2048x128xbf16, #tpu.memory_space<vmem>>, %arg5: memref<1x1x16x16xf32, #tpu.memory_space<vmem>>, %arg6: memref<1x2048x128xf32, #tpu.memory_space<vmem>>) attributes {dimension_semantics = [#tpu.dimension_semantics<parallel>, #tpu.dimension_semantics<parallel>], iteration_bounds = array<i64: 16, 1>, scalar_prefetch = 0 : i64, scratch_operands = 0 : i64, tpu.core_type = #tpu.core_type<tc>, window_params = [{transform_indices = @transform_0, window_bounds = array<i64: 1, 2048, 128>}, {transform_indices = @transform_1, window_bounds = array<i64: 1, 2048, 128>}, {transform_indices = @transform_2, window_bounds = array<i64: 1, 2048, 128>}, {transform_indices = @transform_3, window_bounds = array<i64: 1, 1, 16, 16>}, {transform_indices = @transform_4, window_bounds = array<i64: 1, 2048, 128>}]} {
    %get3A = arith.constant 0 : index
    %get3A_0 = arith.constant 0 : index
    %get3A_1 = arith.constant 0 : index
    %get3A_2 = vector.load %arg2[%get3A, %get3A_0, %get3A_1] : memref<1x2048x128xbf16, #tpu.memory_space<vmem>>, vector<1x2048x128xbf16>
    %get3A_3 = vector.shape_cast %get3A_2 : vector<1x2048x128xbf16> to vector<2048x128xbf16>
    %get3A_4 = arith.constant 0 : index
    %get3A_5 = arith.constant 0 : index
    %get3A_6 = arith.constant 0 : index
    %get3A_7 = arith.constant 0 : index
    %get3A_8 = vector.load %arg5[%get3A_4, %get3A_5, %get3A_6, %get3A_7] : memref<1x1x16x16xf32, #tpu.memory_space<vmem>>, vector<1x1x16x16xf32>
    %get3A_9 = vector.shape_cast %get3A_8 : vector<1x1x16x16xf32> to vector<16x16xf32>
    %get3A_10 = arith.constant 0 : index
    %get3A_11 = arith.constant 0 : index
    %get3A_12 = arith.constant 0 : index
    %get3A_13 = vector.load %arg3[%get3A_10, %get3A_11, %get3A_12] : memref<1x2048x128xbf16, #tpu.memory_space<vmem>>, vector<1x256x128xbf16>
    %get3A_14 = vector.shape_cast %get3A_13 : vector<1x256x128xbf16> to vector<256x128xbf16>
    %dot_general3A = arith.constant dense<0.000000e+00> : vector<2048x256xf32>
    %dot_general3A_15 = tpu.matmul %get3A_3, %get3A_14, %dot_general3A {dimension_numbers = #tpu.dot_dimension_numbers<[1], [1], [0], [0], [0, 0, 1, 0], [], []>, transpose_lhs_hint = false} : vector<2048x128xbf16>, vector<256x128xbf16>, vector<2048x256xf32> -> vector<2048x256xf32>
    %slice3A = vector.extract_strided_slice %get3A_9 {offsets = [0, 0], sizes = [16, 2], strides = [1, 1]} : vector<16x16xf32> to vector<16x2xf32>
    %broadcast_in_dim3A = vector.shape_cast %slice3A : vector<16x2xf32> to vector<16x2x1xf32>
    %broadcast_in_dim3A_16 = vector.broadcast %broadcast_in_dim3A : vector<16x2x1xf32> to vector<16x2x128xf32>
    %reshape3A = vector.shape_cast %broadcast_in_dim3A_16 : vector<16x2x128xf32> to vector<16x256xf32>
    %reshape3A_17 = vector.shape_cast %dot_general3A_15 : vector<2048x256xf32> to vector<16x128x256xf32>
    %broadcast_in_dim3A_18 = vector.shape_cast %reshape3A : vector<16x256xf32> to vector<16x1x256xf32>
    %sub3A = vector.broadcast %broadcast_in_dim3A_18 : vector<16x1x256xf32> to vector<16x128x256xf32>
    %sub3A_19 = arith.subf %reshape3A_17, %sub3A : vector<16x128x256xf32>
    %exp23A = math.exp2 %sub3A_19 : vector<16x128x256xf32>
    %reshape3A_20 = vector.shape_cast %exp23A : vector<16x128x256xf32> to vector<2048x256xf32>
    %reduce_sum3A = arith.constant dense<0.000000e+00> : vector<2048xf32>
    %reduce_sum3A_21 = vector.multi_reduction <add>, %reshape3A_20, %reduce_sum3A [1] : vector<2048x256xf32> to vector<2048xf32>
    %broadcast_in_dim3A_22 = vector.shape_cast %reduce_sum3A_21 : vector<2048xf32> to vector<2048x1xf32>
    %get3A_23 = arith.constant 0 : index
    %get3A_24 = arith.constant 0 : index
    %get3A_25 = arith.constant 0 : index
    %get3A_26 = vector.load %arg4[%get3A_23, %get3A_24, %get3A_25] : memref<1x2048x128xbf16, #tpu.memory_space<vmem>>, vector<1x256x128xbf16>
    %get3A_27 = vector.shape_cast %get3A_26 : vector<1x256x128xbf16> to vector<256x128xbf16>
    %convert_element_type3A = arith.truncf %reshape3A_20 : vector<2048x256xf32> to vector<2048x256xbf16>
    %dot_general3A_28 = arith.constant dense<0.000000e+00> : vector<2048x128xf32>
    %dot_general3A_29 = tpu.matmul %convert_element_type3A, %get3A_27, %dot_general3A_28 {dimension_numbers = #tpu.dot_dimension_numbers<[1], [0], [0], [1], [0, 0, 1, 1], [], []>, transpose_lhs_hint = false} : vector<2048x256xbf16>, vector<256x128xbf16>, vector<2048x128xf32> -> vector<2048x128xf32>
    %get3A_30 = arith.constant 0 : index
    %get3A_31 = arith.constant 256 : index
    %get3A_32 = arith.constant 0 : index
    %get3A_33 = vector.load %arg3[%get3A_30, %get3A_31, %get3A_32] : memref<1x2048x128xbf16, #tpu.memory_space<vmem>>, vector<1x256x128xbf16>
    %get3A_34 = vector.shape_cast %get3A_33 : vector<1x256x128xbf16> to vector<256x128xbf16>
    %dot_general3A_35 = arith.constant dense<0.000000e+00> : vector<2048x256xf32>
    %dot_general3A_36 = tpu.matmul %get3A_3, %get3A_34, %dot_general3A_35 {dimension_numbers = #tpu.dot_dimension_numbers<[1], [1], [0], [0], [0, 0, 1, 0], [], []>, transpose_lhs_hint = false} : vector<2048x128xbf16>, vector<256x128xbf16>, vector<2048x256xf32> -> vector<2048x256xf32>
    %slice3A_37 = vector.extract_strided_slice %get3A_9 {offsets = [0, 2], sizes = [16, 2], strides = [1, 1]} : vector<16x16xf32> to vector<16x2xf32>
    %broadcast_in_dim3A_38 = vector.shape_cast %slice3A_37 : vector<16x2xf32> to vector<16x2x1xf32>
    %broadcast_in_dim3A_39 = vector.broadcast %broadcast_in_dim3A_38 : vector<16x2x1xf32> to vector<16x2x128xf32>
    %reshape3A_40 = vector.shape_cast %broadcast_in_dim3A_39 : vector<16x2x128xf32> to vector<16x256xf32>
    %reshape3A_41 = vector.shape_cast %dot_general3A_36 : vector<2048x256xf32> to vector<16x128x256xf32>
    %broadcast_in_dim3A_42 = vector.shape_cast %reshape3A_40 : vector<16x256xf32> to vector<16x1x256xf32>
    %sub3A_43 = vector.broadcast %broadcast_in_dim3A_42 : vector<16x1x256xf32> to vector<16x128x256xf32>
    %sub3A_44 = arith.subf %reshape3A_41, %sub3A_43 : vector<16x128x256xf32>
    %exp23A_45 = math.exp2 %sub3A_44 : vector<16x128x256xf32>
    %reshape3A_46 = vector.shape_cast %exp23A_45 : vector<16x128x256xf32> to vector<2048x256xf32>
    %reduce_sum3A_47 = arith.constant dense<0.000000e+00> : vector<2048xf32>
    %reduce_sum3A_48 = vector.multi_reduction <add>, %reshape3A_46, %reduce_sum3A_47 [1] : vector<2048x256xf32> to vector<2048xf32>
    %broadcast_in_dim3A_49 = vector.shape_cast %reduce_sum3A_48 : vector<2048xf32> to vector<2048x1xf32>
    %get3A_50 = arith.constant 0 : index
    %get3A_51 = arith.constant 256 : index
    %get3A_52 = arith.constant 0 : index
    %get3A_53 = vector.load %arg4[%get3A_50, %get3A_51, %get3A_52] : memref<1x2048x128xbf16, #tpu.memory_space<vmem>>, vector<1x256x128xbf16>
    %get3A_54 = vector.shape_cast %get3A_53 : vector<1x256x128xbf16> to vector<256x128xbf16>
    %convert_element_type3A_55 = arith.truncf %reshape3A_46 : vector<2048x256xf32> to vector<2048x256xbf16>
    %dot_general3A_56 = arith.constant dense<0.000000e+00> : vector<2048x128xf32>
    %dot_general3A_57 = tpu.matmul %convert_element_type3A_55, %get3A_54, %dot_general3A_56 {dimension_numbers = #tpu.dot_dimension_numbers<[1], [0], [0], [1], [0, 0, 1, 1], [], []>, transpose_lhs_hint = false} : vector<2048x256xbf16>, vector<256x128xbf16>, vector<2048x128xf32> -> vector<2048x128xf32>
    %add3A = arith.addf %broadcast_in_dim3A_22, %broadcast_in_dim3A_49 : vector<2048x1xf32>
    %add3A_58 = arith.addf %dot_general3A_29, %dot_general3A_57 : vector<2048x128xf32>
    %get3A_59 = arith.constant 0 : index
    %get3A_60 = arith.constant 512 : index
    %get3A_61 = arith.constant 0 : index
    %get3A_62 = vector.load %arg3[%get3A_59, %get3A_60, %get3A_61] : memref<1x2048x128xbf16, #tpu.memory_space<vmem>>, vector<1x256x128xbf16>
    %get3A_63 = vector.shape_cast %get3A_62 : vector<1x256x128xbf16> to vector<256x128xbf16>
    %dot_general3A_64 = arith.constant dense<0.000000e+00> : vector<2048x256xf32>
    %dot_general3A_65 = tpu.matmul %get3A_3, %get3A_63, %dot_general3A_64 {dimension_numbers = #tpu.dot_dimension_numbers<[1], [1], [0], [0], [0, 0, 1, 0], [], []>, transpose_lhs_hint = false} : vector<2048x128xbf16>, vector<256x128xbf16>, vector<2048x256xf32> -> vector<2048x256xf32>
    %slice3A_66 = vector.extract_strided_slice %get3A_9 {offsets = [0, 4], sizes = [16, 2], strides = [1, 1]} : vector<16x16xf32> to vector<16x2xf32>
    %broadcast_in_dim3A_67 = vector.shape_cast %slice3A_66 : vector<16x2xf32> to vector<16x2x1xf32>
    %broadcast_in_dim3A_68 = vector.broadcast %broadcast_in_dim3A_67 : vector<16x2x1xf32> to vector<16x2x128xf32>
    %reshape3A_69 = vector.shape_cast %broadcast_in_dim3A_68 : vector<16x2x128xf32> to vector<16x256xf32>
    %reshape3A_70 = vector.shape_cast %dot_general3A_65 : vector<2048x256xf32> to vector<16x128x256xf32>
    %broadcast_in_dim3A_71 = vector.shape_cast %reshape3A_69 : vector<16x256xf32> to vector<16x1x256xf32>
    %sub3A_72 = vector.broadcast %broadcast_in_dim3A_71 : vector<16x1x256xf32> to vector<16x128x256xf32>
    %sub3A_73 = arith.subf %reshape3A_70, %sub3A_72 : vector<16x128x256xf32>
    %exp23A_74 = math.exp2 %sub3A_73 : vector<16x128x256xf32>
    %reshape3A_75 = vector.shape_cast %exp23A_74 : vector<16x128x256xf32> to vector<2048x256xf32>
    %reduce_sum3A_76 = arith.constant dense<0.000000e+00> : vector<2048xf32>
    %reduce_sum3A_77 = vector.multi_reduction <add>, %reshape3A_75, %reduce_sum3A_76 [1] : vector<2048x256xf32> to vector<2048xf32>
    %broadcast_in_dim3A_78 = vector.shape_cast %reduce_sum3A_77 : vector<2048xf32> to vector<2048x1xf32>
    %get3A_79 = arith.constant 0 : index
    %get3A_80 = arith.constant 512 : index
    %get3A_81 = arith.constant 0 : index
    %get3A_82 = vector.load %arg4[%get3A_79, %get3A_80, %get3A_81] : memref<1x2048x128xbf16, #tpu.memory_space<vmem>>, vector<1x256x128xbf16>
    %get3A_83 = vector.shape_cast %get3A_82 : vector<1x256x128xbf16> to vector<256x128xbf16>
    %convert_element_type3A_84 = arith.truncf %reshape3A_75 : vector<2048x256xf32> to vector<2048x256xbf16>
    %dot_general3A_85 = arith.constant dense<0.000000e+00> : vector<2048x128xf32>
    %dot_general3A_86 = tpu.matmul %convert_element_type3A_84, %get3A_83, %dot_general3A_85 {dimension_numbers = #tpu.dot_dimension_numbers<[1], [0], [0], [1], [0, 0, 1, 1], [], []>, transpose_lhs_hint = false} : vector<2048x256xbf16>, vector<256x128xbf16>, vector<2048x128xf32> -> vector<2048x128xf32>
    %add3A_87 = arith.addf %add3A, %broadcast_in_dim3A_78 : vector<2048x1xf32>
    %add3A_88 = arith.addf %add3A_58, %dot_general3A_86 : vector<2048x128xf32>
    %get3A_89 = arith.constant 0 : index
    %get3A_90 = arith.constant 768 : index
    %get3A_91 = arith.constant 0 : index
    %get3A_92 = vector.load %arg3[%get3A_89, %get3A_90, %get3A_91] : memref<1x2048x128xbf16, #tpu.memory_space<vmem>>, vector<1x256x128xbf16>
    %get3A_93 = vector.shape_cast %get3A_92 : vector<1x256x128xbf16> to vector<256x128xbf16>
    %dot_general3A_94 = arith.constant dense<0.000000e+00> : vector<2048x256xf32>
    %dot_general3A_95 = tpu.matmul %get3A_3, %get3A_93, %dot_general3A_94 {dimension_numbers = #tpu.dot_dimension_numbers<[1], [1], [0], [0], [0, 0, 1, 0], [], []>, transpose_lhs_hint = false} : vector<2048x128xbf16>, vector<256x128xbf16>, vector<2048x256xf32> -> vector<2048x256xf32>
    %slice3A_96 = vector.extract_strided_slice %get3A_9 {offsets = [0, 6], sizes = [16, 2], strides = [1, 1]} : vector<16x16xf32> to vector<16x2xf32>
    %broadcast_in_dim3A_97 = vector.shape_cast %slice3A_96 : vector<16x2xf32> to vector<16x2x1xf32>
    %broadcast_in_dim3A_98 = vector.broadcast %broadcast_in_dim3A_97 : vector<16x2x1xf32> to vector<16x2x128xf32>
    %reshape3A_99 = vector.shape_cast %broadcast_in_dim3A_98 : vector<16x2x128xf32> to vector<16x256xf32>
    %reshape3A_100 = vector.shape_cast %dot_general3A_95 : vector<2048x256xf32> to vector<16x128x256xf32>
    %broadcast_in_dim3A_101 = vector.shape_cast %reshape3A_99 : vector<16x256xf32> to vector<16x1x256xf32>
    %sub3A_102 = vector.broadcast %broadcast_in_dim3A_101 : vector<16x1x256xf32> to vector<16x128x256xf32>
    %sub3A_103 = arith.subf %reshape3A_100, %sub3A_102 : vector<16x128x256xf32>
    %exp23A_104 = math.exp2 %sub3A_103 : vector<16x128x256xf32>
    %reshape3A_105 = vector.shape_cast %exp23A_104 : vector<16x128x256xf32> to vector<2048x256xf32>
    %reduce_sum3A_106 = arith.constant dense<0.000000e+00> : vector<2048xf32>
    %reduce_sum3A_107 = vector.multi_reduction <add>, %reshape3A_105, %reduce_sum3A_106 [1] : vector<2048x256xf32> to vector<2048xf32>
    %broadcast_in_dim3A_108 = vector.shape_cast %reduce_sum3A_107 : vector<2048xf32> to vector<2048x1xf32>
    %get3A_109 = arith.constant 0 : index
    %get3A_110 = arith.constant 768 : index
    %get3A_111 = arith.constant 0 : index
    %get3A_112 = vector.load %arg4[%get3A_109, %get3A_110, %get3A_111] : memref<1x2048x128xbf16, #tpu.memory_space<vmem>>, vector<1x256x128xbf16>
    %get3A_113 = vector.shape_cast %get3A_112 : vector<1x256x128xbf16> to vector<256x128xbf16>
    %convert_element_type3A_114 = arith.truncf %reshape3A_105 : vector<2048x256xf32> to vector<2048x256xbf16>
    %dot_general3A_115 = arith.constant dense<0.000000e+00> : vector<2048x128xf32>
    %dot_general3A_116 = tpu.matmul %convert_element_type3A_114, %get3A_113, %dot_general3A_115 {dimension_numbers = #tpu.dot_dimension_numbers<[1], [0], [0], [1], [0, 0, 1, 1], [], []>, transpose_lhs_hint = false} : vector<2048x256xbf16>, vector<256x128xbf16>, vector<2048x128xf32> -> vector<2048x128xf32>
    %add3A_117 = arith.addf %add3A_87, %broadcast_in_dim3A_108 : vector<2048x1xf32>
    %add3A_118 = arith.addf %add3A_88, %dot_general3A_116 : vector<2048x128xf32>
    %get3A_119 = arith.constant 0 : index
    %get3A_120 = arith.constant 1024 : index
    %get3A_121 = arith.constant 0 : index
    %get3A_122 = vector.load %arg3[%get3A_119, %get3A_120, %get3A_121] : memref<1x2048x128xbf16, #tpu.memory_space<vmem>>, vector<1x256x128xbf16>
    %get3A_123 = vector.shape_cast %get3A_122 : vector<1x256x128xbf16> to vector<256x128xbf16>
    %dot_general3A_124 = arith.constant dense<0.000000e+00> : vector<2048x256xf32>
    %dot_general3A_125 = tpu.matmul %get3A_3, %get3A_123, %dot_general3A_124 {dimension_numbers = #tpu.dot_dimension_numbers<[1], [1], [0], [0], [0, 0, 1, 0], [], []>, transpose_lhs_hint = false} : vector<2048x128xbf16>, vector<256x128xbf16>, vector<2048x256xf32> -> vector<2048x256xf32>
    %slice3A_126 = vector.extract_strided_slice %get3A_9 {offsets = [0, 8], sizes = [16, 2], strides = [1, 1]} : vector<16x16xf32> to vector<16x2xf32>
    %broadcast_in_dim3A_127 = vector.shape_cast %slice3A_126 : vector<16x2xf32> to vector<16x2x1xf32>
    %broadcast_in_dim3A_128 = vector.broadcast %broadcast_in_dim3A_127 : vector<16x2x1xf32> to vector<16x2x128xf32>
    %reshape3A_129 = vector.shape_cast %broadcast_in_dim3A_128 : vector<16x2x128xf32> to vector<16x256xf32>
    %reshape3A_130 = vector.shape_cast %dot_general3A_125 : vector<2048x256xf32> to vector<16x128x256xf32>
    %broadcast_in_dim3A_131 = vector.shape_cast %reshape3A_129 : vector<16x256xf32> to vector<16x1x256xf32>
    %sub3A_132 = vector.broadcast %broadcast_in_dim3A_131 : vector<16x1x256xf32> to vector<16x128x256xf32>
    %sub3A_133 = arith.subf %reshape3A_130, %sub3A_132 : vector<16x128x256xf32>
    %exp23A_134 = math.exp2 %sub3A_133 : vector<16x128x256xf32>
    %reshape3A_135 = vector.shape_cast %exp23A_134 : vector<16x128x256xf32> to vector<2048x256xf32>
    %reduce_sum3A_136 = arith.constant dense<0.000000e+00> : vector<2048xf32>
    %reduce_sum3A_137 = vector.multi_reduction <add>, %reshape3A_135, %reduce_sum3A_136 [1] : vector<2048x256xf32> to vector<2048xf32>
    %broadcast_in_dim3A_138 = vector.shape_cast %reduce_sum3A_137 : vector<2048xf32> to vector<2048x1xf32>
    %get3A_139 = arith.constant 0 : index
    %get3A_140 = arith.constant 1024 : index
    %get3A_141 = arith.constant 0 : index
    %get3A_142 = vector.load %arg4[%get3A_139, %get3A_140, %get3A_141] : memref<1x2048x128xbf16, #tpu.memory_space<vmem>>, vector<1x256x128xbf16>
    %get3A_143 = vector.shape_cast %get3A_142 : vector<1x256x128xbf16> to vector<256x128xbf16>
    %convert_element_type3A_144 = arith.truncf %reshape3A_135 : vector<2048x256xf32> to vector<2048x256xbf16>
    %dot_general3A_145 = arith.constant dense<0.000000e+00> : vector<2048x128xf32>
    %dot_general3A_146 = tpu.matmul %convert_element_type3A_144, %get3A_143, %dot_general3A_145 {dimension_numbers = #tpu.dot_dimension_numbers<[1], [0], [0], [1], [0, 0, 1, 1], [], []>, transpose_lhs_hint = false} : vector<2048x256xbf16>, vector<256x128xbf16>, vector<2048x128xf32> -> vector<2048x128xf32>
    %add3A_147 = arith.addf %add3A_117, %broadcast_in_dim3A_138 : vector<2048x1xf32>
    %add3A_148 = arith.addf %add3A_118, %dot_general3A_146 : vector<2048x128xf32>
    %get3A_149 = arith.constant 0 : index
    %get3A_150 = arith.constant 1280 : index
    %get3A_151 = arith.constant 0 : index
    %get3A_152 = vector.load %arg3[%get3A_149, %get3A_150, %get3A_151] : memref<1x2048x128xbf16, #tpu.memory_space<vmem>>, vector<1x256x128xbf16>
    %get3A_153 = vector.shape_cast %get3A_152 : vector<1x256x128xbf16> to vector<256x128xbf16>
    %dot_general3A_154 = arith.constant dense<0.000000e+00> : vector<2048x256xf32>
    %dot_general3A_155 = tpu.matmul %get3A_3, %get3A_153, %dot_general3A_154 {dimension_numbers = #tpu.dot_dimension_numbers<[1], [1], [0], [0], [0, 0, 1, 0], [], []>, transpose_lhs_hint = false} : vector<2048x128xbf16>, vector<256x128xbf16>, vector<2048x256xf32> -> vector<2048x256xf32>
    %slice3A_156 = vector.extract_strided_slice %get3A_9 {offsets = [0, 10], sizes = [16, 2], strides = [1, 1]} : vector<16x16xf32> to vector<16x2xf32>
    %broadcast_in_dim3A_157 = vector.shape_cast %slice3A_156 : vector<16x2xf32> to vector<16x2x1xf32>
    %broadcast_in_dim3A_158 = vector.broadcast %broadcast_in_dim3A_157 : vector<16x2x1xf32> to vector<16x2x128xf32>
    %reshape3A_159 = vector.shape_cast %broadcast_in_dim3A_158 : vector<16x2x128xf32> to vector<16x256xf32>
    %reshape3A_160 = vector.shape_cast %dot_general3A_155 : vector<2048x256xf32> to vector<16x128x256xf32>
    %broadcast_in_dim3A_161 = vector.shape_cast %reshape3A_159 : vector<16x256xf32> to vector<16x1x256xf32>
    %sub3A_162 = vector.broadcast %broadcast_in_dim3A_161 : vector<16x1x256xf32> to vector<16x128x256xf32>
    %sub3A_163 = arith.subf %reshape3A_160, %sub3A_162 : vector<16x128x256xf32>
    %exp23A_164 = math.exp2 %sub3A_163 : vector<16x128x256xf32>
    %reshape3A_165 = vector.shape_cast %exp23A_164 : vector<16x128x256xf32> to vector<2048x256xf32>
    %reduce_sum3A_166 = arith.constant dense<0.000000e+00> : vector<2048xf32>
    %reduce_sum3A_167 = vector.multi_reduction <add>, %reshape3A_165, %reduce_sum3A_166 [1] : vector<2048x256xf32> to vector<2048xf32>
    %broadcast_in_dim3A_168 = vector.shape_cast %reduce_sum3A_167 : vector<2048xf32> to vector<2048x1xf32>
    %get3A_169 = arith.constant 0 : index
    %get3A_170 = arith.constant 1280 : index
    %get3A_171 = arith.constant 0 : index
    %get3A_172 = vector.load %arg4[%get3A_169, %get3A_170, %get3A_171] : memref<1x2048x128xbf16, #tpu.memory_space<vmem>>, vector<1x256x128xbf16>
    %get3A_173 = vector.shape_cast %get3A_172 : vector<1x256x128xbf16> to vector<256x128xbf16>
    %convert_element_type3A_174 = arith.truncf %reshape3A_165 : vector<2048x256xf32> to vector<2048x256xbf16>
    %dot_general3A_175 = arith.constant dense<0.000000e+00> : vector<2048x128xf32>
    %dot_general3A_176 = tpu.matmul %convert_element_type3A_174, %get3A_173, %dot_general3A_175 {dimension_numbers = #tpu.dot_dimension_numbers<[1], [0], [0], [1], [0, 0, 1, 1], [], []>, transpose_lhs_hint = false} : vector<2048x256xbf16>, vector<256x128xbf16>, vector<2048x128xf32> -> vector<2048x128xf32>
    %add3A_177 = arith.addf %add3A_147, %broadcast_in_dim3A_168 : vector<2048x1xf32>
    %add3A_178 = arith.addf %add3A_148, %dot_general3A_176 : vector<2048x128xf32>
    %get3A_179 = arith.constant 0 : index
    %get3A_180 = arith.constant 1536 : index
    %get3A_181 = arith.constant 0 : index
    %get3A_182 = vector.load %arg3[%get3A_179, %get3A_180, %get3A_181] : memref<1x2048x128xbf16, #tpu.memory_space<vmem>>, vector<1x256x128xbf16>
    %get3A_183 = vector.shape_cast %get3A_182 : vector<1x256x128xbf16> to vector<256x128xbf16>
    %dot_general3A_184 = arith.constant dense<0.000000e+00> : vector<2048x256xf32>
    %dot_general3A_185 = tpu.matmul %get3A_3, %get3A_183, %dot_general3A_184 {dimension_numbers = #tpu.dot_dimension_numbers<[1], [1], [0], [0], [0, 0, 1, 0], [], []>, transpose_lhs_hint = false} : vector<2048x128xbf16>, vector<256x128xbf16>, vector<2048x256xf32> -> vector<2048x256xf32>
    %slice3A_186 = vector.extract_strided_slice %get3A_9 {offsets = [0, 12], sizes = [16, 2], strides = [1, 1]} : vector<16x16xf32> to vector<16x2xf32>
    %broadcast_in_dim3A_187 = vector.shape_cast %slice3A_186 : vector<16x2xf32> to vector<16x2x1xf32>
    %broadcast_in_dim3A_188 = vector.broadcast %broadcast_in_dim3A_187 : vector<16x2x1xf32> to vector<16x2x128xf32>
    %reshape3A_189 = vector.shape_cast %broadcast_in_dim3A_188 : vector<16x2x128xf32> to vector<16x256xf32>
    %reshape3A_190 = vector.shape_cast %dot_general3A_185 : vector<2048x256xf32> to vector<16x128x256xf32>
    %broadcast_in_dim3A_191 = vector.shape_cast %reshape3A_189 : vector<16x256xf32> to vector<16x1x256xf32>
    %sub3A_192 = vector.broadcast %broadcast_in_dim3A_191 : vector<16x1x256xf32> to vector<16x128x256xf32>
    %sub3A_193 = arith.subf %reshape3A_190, %sub3A_192 : vector<16x128x256xf32>
    %exp23A_194 = math.exp2 %sub3A_193 : vector<16x128x256xf32>
    %reshape3A_195 = vector.shape_cast %exp23A_194 : vector<16x128x256xf32> to vector<2048x256xf32>
    %reduce_sum3A_196 = arith.constant dense<0.000000e+00> : vector<2048xf32>
    %reduce_sum3A_197 = vector.multi_reduction <add>, %reshape3A_195, %reduce_sum3A_196 [1] : vector<2048x256xf32> to vector<2048xf32>
    %broadcast_in_dim3A_198 = vector.shape_cast %reduce_sum3A_197 : vector<2048xf32> to vector<2048x1xf32>
    %get3A_199 = arith.constant 0 : index
    %get3A_200 = arith.constant 1536 : index
    %get3A_201 = arith.constant 0 : index
    %get3A_202 = vector.load %arg4[%get3A_199, %get3A_200, %get3A_201] : memref<1x2048x128xbf16, #tpu.memory_space<vmem>>, vector<1x256x128xbf16>
    %get3A_203 = vector.shape_cast %get3A_202 : vector<1x256x128xbf16> to vector<256x128xbf16>
    %convert_element_type3A_204 = arith.truncf %reshape3A_195 : vector<2048x256xf32> to vector<2048x256xbf16>
    %dot_general3A_205 = arith.constant dense<0.000000e+00> : vector<2048x128xf32>
    %dot_general3A_206 = tpu.matmul %convert_element_type3A_204, %get3A_203, %dot_general3A_205 {dimension_numbers = #tpu.dot_dimension_numbers<[1], [0], [0], [1], [0, 0, 1, 1], [], []>, transpose_lhs_hint = false} : vector<2048x256xbf16>, vector<256x128xbf16>, vector<2048x128xf32> -> vector<2048x128xf32>
    %add3A_207 = arith.addf %add3A_177, %broadcast_in_dim3A_198 : vector<2048x1xf32>
    %add3A_208 = arith.addf %add3A_178, %dot_general3A_206 : vector<2048x128xf32>
    %get3A_209 = arith.constant 0 : index
    %get3A_210 = arith.constant 1792 : index
    %get3A_211 = arith.constant 0 : index
    %get3A_212 = vector.load %arg3[%get3A_209, %get3A_210, %get3A_211] : memref<1x2048x128xbf16, #tpu.memory_space<vmem>>, vector<1x256x128xbf16>
    %get3A_213 = vector.shape_cast %get3A_212 : vector<1x256x128xbf16> to vector<256x128xbf16>
    %dot_general3A_214 = arith.constant dense<0.000000e+00> : vector<2048x256xf32>
    %dot_general3A_215 = tpu.matmul %get3A_3, %get3A_213, %dot_general3A_214 {dimension_numbers = #tpu.dot_dimension_numbers<[1], [1], [0], [0], [0, 0, 1, 0], [], []>, transpose_lhs_hint = false} : vector<2048x128xbf16>, vector<256x128xbf16>, vector<2048x256xf32> -> vector<2048x256xf32>
    %slice3A_216 = vector.extract_strided_slice %get3A_9 {offsets = [0, 14], sizes = [16, 2], strides = [1, 1]} : vector<16x16xf32> to vector<16x2xf32>
    %broadcast_in_dim3A_217 = vector.shape_cast %slice3A_216 : vector<16x2xf32> to vector<16x2x1xf32>
    %broadcast_in_dim3A_218 = vector.broadcast %broadcast_in_dim3A_217 : vector<16x2x1xf32> to vector<16x2x128xf32>
    %reshape3A_219 = vector.shape_cast %broadcast_in_dim3A_218 : vector<16x2x128xf32> to vector<16x256xf32>
    %reshape3A_220 = vector.shape_cast %dot_general3A_215 : vector<2048x256xf32> to vector<16x128x256xf32>
    %broadcast_in_dim3A_221 = vector.shape_cast %reshape3A_219 : vector<16x256xf32> to vector<16x1x256xf32>
    %sub3A_222 = vector.broadcast %broadcast_in_dim3A_221 : vector<16x1x256xf32> to vector<16x128x256xf32>
    %sub3A_223 = arith.subf %reshape3A_220, %sub3A_222 : vector<16x128x256xf32>
    %exp23A_224 = math.exp2 %sub3A_223 : vector<16x128x256xf32>
    %reshape3A_225 = vector.shape_cast %exp23A_224 : vector<16x128x256xf32> to vector<2048x256xf32>
    %reduce_sum3A_226 = arith.constant dense<0.000000e+00> : vector<2048xf32>
    %reduce_sum3A_227 = vector.multi_reduction <add>, %reshape3A_225, %reduce_sum3A_226 [1] : vector<2048x256xf32> to vector<2048xf32>
    %broadcast_in_dim3A_228 = vector.shape_cast %reduce_sum3A_227 : vector<2048xf32> to vector<2048x1xf32>
    %get3A_229 = arith.constant 0 : index
    %get3A_230 = arith.constant 1792 : index
    %get3A_231 = arith.constant 0 : index
    %get3A_232 = vector.load %arg4[%get3A_229, %get3A_230, %get3A_231] : memref<1x2048x128xbf16, #tpu.memory_space<vmem>>, vector<1x256x128xbf16>
    %get3A_233 = vector.shape_cast %get3A_232 : vector<1x256x128xbf16> to vector<256x128xbf16>
    %convert_element_type3A_234 = arith.truncf %reshape3A_225 : vector<2048x256xf32> to vector<2048x256xbf16>
    %dot_general3A_235 = arith.constant dense<0.000000e+00> : vector<2048x128xf32>
    %dot_general3A_236 = tpu.matmul %convert_element_type3A_234, %get3A_233, %dot_general3A_235 {dimension_numbers = #tpu.dot_dimension_numbers<[1], [0], [0], [1], [0, 0, 1, 1], [], []>, transpose_lhs_hint = false} : vector<2048x256xbf16>, vector<256x128xbf16>, vector<2048x128xf32> -> vector<2048x128xf32>
    %add3A_237 = arith.addf %add3A_207, %broadcast_in_dim3A_228 : vector<2048x1xf32>
    %add3A_238 = arith.addf %add3A_208, %dot_general3A_236 : vector<2048x128xf32>
    %div3A = vector.broadcast %add3A_237 : vector<2048x1xf32> to vector<2048x128xf32>
    %div3A_239 = arith.divf %add3A_238, %div3A : vector<2048x128xf32>
    %swap3A = arith.constant 0 : index
    %swap3A_240 = arith.constant 0 : index
    %swap3A_241 = arith.constant 0 : index
    %swap3A_242 = vector.load %arg6[%swap3A, %swap3A_240, %swap3A_241] : memref<1x2048x128xf32, #tpu.memory_space<vmem>>, vector<1x2048x128xf32>
    %swap3A_243 = vector.shape_cast %swap3A_242 : vector<1x2048x128xf32> to vector<2048x128xf32>
    %swap3A_244 = vector.shape_cast %div3A_239 : vector<2048x128xf32> to vector<1x2048x128xf32>
    tpu.vector_store %arg6[%swap3A, %swap3A_240, %swap3A_241], %swap3A_244 {strides = array<i32>} : memref<1x2048x128xf32, #tpu.memory_space<vmem>>, vector<1x2048x128xf32>,
    return
  }
  func.func @transform_0(%arg0: i32, %arg1: i32) -> (i32, i32, i32) {
    %c0_i32 = arith.constant 0 : i32
    %c0_i32_0 = arith.constant 0 : i32
    return %arg0, %arg1, %c0_i32 : i32, i32, i32
  }
  func.func @transform_1(%arg0: i32, %arg1: i32) -> (i32, i32, i32) {
    %c0_i32 = arith.constant 0 : i32
    %c0_i32_0 = arith.constant 0 : i32
    %c0_i32_1 = arith.constant 0 : i32
    return %arg0, %c0_i32, %c0_i32_0 : i32, i32, i32
  }
  func.func @transform_2(%arg0: i32, %arg1: i32) -> (i32, i32, i32) {
    %c0_i32 = arith.constant 0 : i32
    %c0_i32_0 = arith.constant 0 : i32
    %c0_i32_1 = arith.constant 0 : i32
    return %arg0, %c0_i32, %c0_i32_0 : i32, i32, i32
  }
  func.func @transform_3(%arg0: i32, %arg1: i32) -> (i32, i32, i32, i32) {
    %c0_i32 = arith.constant 0 : i32
    %c0_i32_0 = arith.constant 0 : i32
    %c0_i32_1 = arith.constant 0 : i32
    return %arg0, %arg1, %c0_i32, %c0_i32_0 : i32, i32, i32, i32
  }
  func.func @transform_4(%arg0: i32, %arg1: i32) -> (i32, i32, i32) {
    %c0_i32 = arith.constant 0 : i32
    %c0_i32_0 = arith.constant 0 : i32
    return %arg0, %arg1, %c0_i32 : i32, i32, i32
  }
}

module attributes {stable_mosaic.version = 14 : i64} {
  func.func @_prep_kernel(%arg0: i32, %arg1: memref<1x2048x128xf32, #tpu.memory_space<vmem>>, %arg2: memref<1x2048x128xf32, #tpu.memory_space<vmem>>, %arg3: memref<1x2048x128xf32, #tpu.memory_space<vmem>>, %arg4: memref<1x16x16xf32, #tpu.memory_space<vmem>>, %arg5: memref<1x1x16xf32, #tpu.memory_space<vmem>>, %arg6: memref<1x2048x128xbf16, #tpu.memory_space<vmem>>, %arg7: memref<1x2048x128xbf16, #tpu.memory_space<vmem>>, %arg8: memref<1x2048x128xbf16, #tpu.memory_space<vmem>>) attributes {dimension_semantics = [#tpu.dimension_semantics<parallel>], iteration_bounds = array<i64: 16>, scalar_prefetch = 0 : i64, scratch_operands = 0 : i64, tpu.core_type = #tpu.core_type<tc>, window_params = [{transform_indices = @transform_0, window_bounds = array<i64: 1, 2048, 128>}, {transform_indices = @transform_1, window_bounds = array<i64: 1, 2048, 128>}, {transform_indices = @transform_2, window_bounds = array<i64: 1, 2048, 128>}, {transform_indices = @transform_3, window_bounds = array<i64: 1, 16, 16>}, {transform_indices = @transform_4, window_bounds = array<i64: 1, 1, 16>}, {transform_indices = @transform_5, window_bounds = array<i64: 1, 2048, 128>}, {transform_indices = @transform_6, window_bounds = array<i64: 1, 2048, 128>}, {transform_indices = @transform_7, window_bounds = array<i64: 1, 2048, 128>}]} {
    %get3A = arith.constant 0 : index
    %get3A_0 = arith.constant 0 : index
    %get3A_1 = arith.constant 0 : index
    %get3A_2 = vector.load %arg1[%get3A, %get3A_0, %get3A_1] : memref<1x2048x128xf32, #tpu.memory_space<vmem>>, vector<1x2048x128xf32>
    %get3A_3 = vector.shape_cast %get3A_2 : vector<1x2048x128xf32> to vector<2048x128xf32>
    %get3A_4 = arith.constant 0 : index
    %get3A_5 = arith.constant 0 : index
    %get3A_6 = arith.constant 0 : index
    %get3A_7 = vector.load %arg2[%get3A_4, %get3A_5, %get3A_6] : memref<1x2048x128xf32, #tpu.memory_space<vmem>>, vector<1x2048x128xf32>
    %get3A_8 = vector.shape_cast %get3A_7 : vector<1x2048x128xf32> to vector<2048x128xf32>
    %mul3A = arith.constant 0.127517432 : f32
    %mul3A_9 = vector.broadcast %mul3A : f32 to vector<2048x128xf32>
    %mul3A_10 = arith.mulf %get3A_3, %mul3A_9 : vector<2048x128xf32>
    %convert_element_type3A = arith.truncf %mul3A_10 : vector<2048x128xf32> to vector<2048x128xbf16>
    %swap3A = arith.constant 0 : index
    %swap3A_11 = arith.constant 0 : index
    %swap3A_12 = arith.constant 0 : index
    %swap3A_13 = vector.load %arg6[%swap3A, %swap3A_11, %swap3A_12] : memref<1x2048x128xbf16, #tpu.memory_space<vmem>>, vector<1x2048x128xbf16>
    %swap3A_14 = vector.shape_cast %swap3A_13 : vector<1x2048x128xbf16> to vector<2048x128xbf16>
    %swap3A_15 = vector.shape_cast %convert_element_type3A : vector<2048x128xbf16> to vector<1x2048x128xbf16>
    tpu.vector_store %arg6[%swap3A, %swap3A_11, %swap3A_12], %swap3A_15 {strides = array<i32>} : memref<1x2048x128xbf16, #tpu.memory_space<vmem>>, vector<1x2048x128xbf16>,
    %convert_element_type3A_16 = arith.truncf %get3A_8 : vector<2048x128xf32> to vector<2048x128xbf16>
    %swap3A_17 = arith.constant 0 : index
    %swap3A_18 = arith.constant 0 : index
    %swap3A_19 = arith.constant 0 : index
    %swap3A_20 = vector.load %arg7[%swap3A_17, %swap3A_18, %swap3A_19] : memref<1x2048x128xbf16, #tpu.memory_space<vmem>>, vector<1x2048x128xbf16>
    %swap3A_21 = vector.shape_cast %swap3A_20 : vector<1x2048x128xbf16> to vector<2048x128xbf16>
    %swap3A_22 = vector.shape_cast %convert_element_type3A_16 : vector<2048x128xbf16> to vector<1x2048x128xbf16>
    tpu.vector_store %arg7[%swap3A_17, %swap3A_18, %swap3A_19], %swap3A_22 {strides = array<i32>} : memref<1x2048x128xbf16, #tpu.memory_space<vmem>>, vector<1x2048x128xbf16>,
    %get3A_23 = arith.constant 0 : index
    %get3A_24 = arith.constant 0 : index
    %get3A_25 = arith.constant 0 : index
    %get3A_26 = vector.load %arg3[%get3A_23, %get3A_24, %get3A_25] : memref<1x2048x128xf32, #tpu.memory_space<vmem>>, vector<1x2048x128xf32>
    %get3A_27 = vector.shape_cast %get3A_26 : vector<1x2048x128xf32> to vector<2048x128xf32>
    %convert_element_type3A_28 = arith.truncf %get3A_27 : vector<2048x128xf32> to vector<2048x128xbf16>
    %swap3A_29 = arith.constant 0 : index
    %swap3A_30 = arith.constant 0 : index
    %swap3A_31 = arith.constant 0 : index
    %swap3A_32 = vector.load %arg8[%swap3A_29, %swap3A_30, %swap3A_31] : memref<1x2048x128xbf16, #tpu.memory_space<vmem>>, vector<1x2048x128xbf16>
    %swap3A_33 = vector.shape_cast %swap3A_32 : vector<1x2048x128xbf16> to vector<2048x128xbf16>
    %swap3A_34 = vector.shape_cast %convert_element_type3A_28 : vector<2048x128xbf16> to vector<1x2048x128xbf16>
    tpu.vector_store %arg8[%swap3A_29, %swap3A_30, %swap3A_31], %swap3A_34 {strides = array<i32>} : memref<1x2048x128xbf16, #tpu.memory_space<vmem>>, vector<1x2048x128xbf16>,
    %reshape3A = vector.shape_cast %get3A_3 : vector<2048x128xf32> to vector<16x128x128xf32>
    %reduce_sum3A = arith.constant dense<0.000000e+00> : vector<16x128xf32>
    %reduce_sum3A_35 = vector.multi_reduction <add>, %reshape3A, %reduce_sum3A [1] : vector<16x128x128xf32> to vector<16x128xf32>
    %div3A = arith.constant 1.280000e+02 : f32
    %div3A_36 = vector.broadcast %div3A : f32 to vector<16x128xf32>
    %div3A_37 = arith.divf %reduce_sum3A_35, %div3A_36 : vector<16x128xf32>
    %reshape3A_38 = vector.shape_cast %get3A_8 : vector<2048x128xf32> to vector<16x128x128xf32>
    %reduce_sum3A_39 = arith.constant dense<0.000000e+00> : vector<16x128xf32>
    %reduce_sum3A_40 = vector.multi_reduction <add>, %reshape3A_38, %reduce_sum3A_39 [1] : vector<16x128x128xf32> to vector<16x128xf32>
    %div3A_41 = arith.constant 1.280000e+02 : f32
    %div3A_42 = vector.broadcast %div3A_41 : f32 to vector<16x128xf32>
    %div3A_43 = arith.divf %reduce_sum3A_40, %div3A_42 : vector<16x128xf32>
    %dot_general3A = arith.constant dense<0.000000e+00> : vector<16x16xf32>
    %dot_general3A_44 = tpu.matmul %div3A_37, %div3A_43, %dot_general3A {dimension_numbers = #tpu.dot_dimension_numbers<[1], [1], [0], [0], [0, 0, 1, 0], [], []>, transpose_lhs_hint = false} : vector<16x128xf32>, vector<16x128xf32>, vector<16x16xf32> -> vector<16x16xf32>
    %mul3A_45 = arith.constant 0.0883883461 : f32
    %mul3A_46 = vector.broadcast %mul3A_45 : f32 to vector<16x16xf32>
    %mul3A_47 = arith.mulf %dot_general3A_44, %mul3A_46 : vector<16x16xf32>
    %reduce_max3A = arith.constant dense<0xFF800000> : vector<16xf32>
    %reduce_max3A_48 = vector.multi_reduction <maximumf>, %mul3A_47, %reduce_max3A [1] : vector<16x16xf32> to vector<16xf32>
    %broadcast_in_dim3A = vector.shape_cast %reduce_max3A_48 : vector<16xf32> to vector<16x1xf32>
    %sub3A = vector.broadcast %broadcast_in_dim3A : vector<16x1xf32> to vector<16x16xf32>
    %sub3A_49 = arith.subf %mul3A_47, %sub3A : vector<16x16xf32>
    %swap3A_50 = arith.constant 0 : index
    %swap3A_51 = arith.constant 0 : index
    %swap3A_52 = arith.constant 0 : index
    %swap3A_53 = vector.load %arg4[%swap3A_50, %swap3A_51, %swap3A_52] : memref<1x16x16xf32, #tpu.memory_space<vmem>>, vector<1x16x16xf32>
    %swap3A_54 = vector.shape_cast %swap3A_53 : vector<1x16x16xf32> to vector<16x16xf32>
    %swap3A_55 = vector.shape_cast %sub3A_49 : vector<16x16xf32> to vector<1x16x16xf32>
    tpu.vector_store %arg4[%swap3A_50, %swap3A_51, %swap3A_52], %swap3A_55 {strides = array<i32>} : memref<1x16x16xf32, #tpu.memory_space<vmem>>, vector<1x16x16xf32>,
    %mul3A_56 = arith.mulf %get3A_3, %get3A_3 : vector<2048x128xf32>
    %reduce_sum3A_57 = arith.constant dense<0.000000e+00> : vector<2048xf32>
    %reduce_sum3A_58 = vector.multi_reduction <add>, %mul3A_56, %reduce_sum3A_57 [1] : vector<2048x128xf32> to vector<2048xf32>
    %reshape3A_59 = vector.shape_cast %reduce_sum3A_58 : vector<2048xf32> to vector<16x128xf32>
    %reduce_max3A_60 = arith.constant dense<0xFF800000> : vector<16xf32>
    %reduce_max3A_61 = vector.multi_reduction <maximumf>, %reshape3A_59, %reduce_max3A_60 [1] : vector<16x128xf32> to vector<16xf32>
    %broadcast_in_dim3A_62 = vector.shape_cast %reduce_max3A_61 : vector<16xf32> to vector<16x1xf32>
    %mul3A_63 = arith.mulf %get3A_8, %get3A_8 : vector<2048x128xf32>
    %reduce_sum3A_64 = arith.constant dense<0.000000e+00> : vector<2048xf32>
    %reduce_sum3A_65 = vector.multi_reduction <add>, %mul3A_63, %reduce_sum3A_64 [1] : vector<2048x128xf32> to vector<2048xf32>
    %reduce_max3A_66 = vector.shape_cast %reduce_sum3A_65 : vector<2048xf32> to vector<1x2048xf32>
    %reduce_max3A_67 = arith.constant dense<0xFF800000> : vector<1xf32>
    %reduce_max3A_68 = vector.multi_reduction <maximumf>, %reduce_max3A_66, %reduce_max3A_67 [1] : vector<1x2048xf32> to vector<1xf32>
    %reduce_max3A_69 = vector.shape_cast %reduce_max3A_68 : vector<1xf32> to vector<1x1xf32>
    %reduce_max3A_70 = vector.extract %reduce_max3A_69[0, 0] : f32 from vector<1x1xf32>
    %mul3A_71 = vector.broadcast %reduce_max3A_70 : f32 to vector<16x1xf32>
    %mul3A_72 = arith.mulf %broadcast_in_dim3A_62, %mul3A_71 : vector<16x1xf32>
    %sqrt3A = math.sqrt %mul3A_72 : vector<16x1xf32>
    %mul3A_73 = arith.constant 0.0883883461 : f32
    %mul3A_74 = vector.broadcast %mul3A_73 : f32 to vector<16x1xf32>
    %mul3A_75 = arith.mulf %mul3A_74, %sqrt3A : vector<16x1xf32>
    %reshape3A_76 = vector.shape_cast %mul3A_75 : vector<16x1xf32> to vector<1x16xf32>
    %swap3A_77 = arith.constant 0 : index
    %swap3A_78 = arith.constant 0 : index
    %swap3A_79 = arith.constant 0 : index
    %swap3A_80 = vector.load %arg5[%swap3A_77, %swap3A_78, %swap3A_79] : memref<1x1x16xf32, #tpu.memory_space<vmem>>, vector<1x1x16xf32>
    %swap3A_81 = vector.shape_cast %swap3A_80 : vector<1x1x16xf32> to vector<1x16xf32>
    %swap3A_82 = vector.shape_cast %reshape3A_76 : vector<1x16xf32> to vector<1x1x16xf32>
    tpu.vector_store %arg5[%swap3A_77, %swap3A_78, %swap3A_79], %swap3A_82 {strides = array<i32>} : memref<1x1x16xf32, #tpu.memory_space<vmem>>, vector<1x1x16xf32>,
    return
  }
  func.func @transform_0(%arg0: i32) -> (i32, i32, i32) {
    %c0_i32 = arith.constant 0 : i32
    %c0_i32_0 = arith.constant 0 : i32
    %c0_i32_1 = arith.constant 0 : i32
    return %arg0, %c0_i32, %c0_i32_0 : i32, i32, i32
  }
  func.func @transform_1(%arg0: i32) -> (i32, i32, i32) {
    %c0_i32 = arith.constant 0 : i32
    %c0_i32_0 = arith.constant 0 : i32
    %c0_i32_1 = arith.constant 0 : i32
    return %arg0, %c0_i32, %c0_i32_0 : i32, i32, i32
  }
  func.func @transform_2(%arg0: i32) -> (i32, i32, i32) {
    %c0_i32 = arith.constant 0 : i32
    %c0_i32_0 = arith.constant 0 : i32
    %c0_i32_1 = arith.constant 0 : i32
    return %arg0, %c0_i32, %c0_i32_0 : i32, i32, i32
  }
  func.func @transform_3(%arg0: i32) -> (i32, i32, i32) {
    %c0_i32 = arith.constant 0 : i32
    %c0_i32_0 = arith.constant 0 : i32
    %c0_i32_1 = arith.constant 0 : i32
    return %arg0, %c0_i32, %c0_i32_0 : i32, i32, i32
  }
  func.func @transform_4(%arg0: i32) -> (i32, i32, i32) {
    %c0_i32 = arith.constant 0 : i32
    %c0_i32_0 = arith.constant 0 : i32
    %c0_i32_1 = arith.constant 0 : i32
    return %arg0, %c0_i32, %c0_i32_0 : i32, i32, i32
  }
  func.func @transform_5(%arg0: i32) -> (i32, i32, i32) {
    %c0_i32 = arith.constant 0 : i32
    %c0_i32_0 = arith.constant 0 : i32
    %c0_i32_1 = arith.constant 0 : i32
    return %arg0, %c0_i32, %c0_i32_0 : i32, i32, i32
  }
  func.func @transform_6(%arg0: i32) -> (i32, i32, i32) {
    %c0_i32 = arith.constant 0 : i32
    %c0_i32_0 = arith.constant 0 : i32
    %c0_i32_1 = arith.constant 0 : i32
    return %arg0, %c0_i32, %c0_i32_0 : i32, i32, i32
  }
  func.func @transform_7(%arg0: i32) -> (i32, i32, i32) {
    %c0_i32 = arith.constant 0 : i32
    %c0_i32_0 = arith.constant 0 : i32
    %c0_i32_1 = arith.constant 0 : i32
    return %arg0, %c0_i32, %c0_i32_0 : i32, i32, i32
  }
}

</mosaic_0001>

<sc_bundles>
// kernel: _run.5.cloned.1.call-start
scs
__scs_entry_jumppad:
0x0: {  	(pc) =	sbr.rel $0x88, $3  }
0x1: {  	(tag) =	ssettag $0x0;
	lr =	simm.s32 $0x1  }
0x2: {  	[smem:$0x3F9E] =	sst lr;
	_ =	strace $0xD0000000  }
0x3: {  	_ = 	snop  }
0x4: {  	_ = 	snop  }
0x5: {  	_ = 	snop  }
0x6: {  	_ = 	snop  }
0x7: {  	_ = 	snop  }
__scs_overlays_trampoline_lowered:
0x8: {  	[smem:$0x3FAD] =	sst s0  }
0x9: {  	[smem:$0x3FAE] =	sst s1  }
0xa: {  	[smem:$0x3FAF] =	sst s2  }
0xb: {  	[smem:$0x3FB0] =	sst s3  }
0xc: {  	[smem:$0x3FB1] =	sst s4  }
0xd: {  	[smem:$0x3FB2] =	sst s5  }
0xe: {  	[smem:$0x3FB3] =	sst s6  }
0xf: {  	[smem:$0x3FB4] =	sst s7  }
0x10: {  	[smem:$0x3FB5] =	sst s8  }
0x11: {  	[smem:$0x3FB6] =	sst s9;
	s0 =	simm.s32 @!p0 $0x0  }
0x12: {  	s1 =	sld [smem:$0x3F9C];
	s0 =	simm.s32 @p0 $0x1  }
0x13: {  	[smem:$0x3FB7] =	sst s0;
	s0 =	simm.s32 @!p1 $0x0  }
0x14: {  	s2 =	sld [smem:$0x3F9B];
	s0 =	simm.s32 @p1 $0x1  }
0x15: {  	[smem:$0x3FB8] =	sst s0;
	s0 =	simm.s32 @!p2 $0x0  }
0x16: {  	s3 =	sld [smem:$0x3FDB];
	s0 =	simm.s32 @p2 $0x1  }
0x17: {  	s4 =	simm.s32 $0x1BF5;
	[smem:$0x3FBA] =	sst s0  }
0x18: {  	s0 =	sld [smem:$0x3F9D];
	_ =	swait.ge [sflag:s4], $0x0  }
0x19: {  	s7 =	sld [smem:$0x3F9E]  }
0x1a: {  	s8 =	sadd.s32 $0xFFFFE003, lr  }
0x1b: {  	s9 =	sadd.s32 $0xFFFFFEF7, lr;
	s5 =	simm.s32 $0xFFFFFFFF;
	p2 =	slt.u32 s8, $0xFFFFF086  }
0x1c: {  	p1 =	slt.u32 s9, $0xF7A;
	s5 =	simm.s32 @!p2 $0x0  }
0x1d: {  	s5 =	simm.s32 @p1 $0x1;
	p0 =	seq.s32 s7, s2  }
0x1e: {  	s7 =	smul.u32 @!p0 $0xF7A, s2;
	p2 =	seq.s32 @!p0 s5, $0x0  }
0x1f: {  	s9 =	smul.u32 $0xF7A, s1;
	s8 =	simm.s32 @!p0 $0x1BF5;
	p2 =	por !p2, p0  }
0x20: {  	[sflag:s8] =	ssyncset.s32 @!p0 $0xFFFFF086;
	s6 =	sadd.s32 @!p0 s3, s7;
	s7 =	simm.s32 @!p0 $0x108  }
0x21: {  	s3 =	sadd.s32 s3, s9;
	s6 =	sadd.s32 @!p0 $0x88, s6;
	s7 =	simm.s32 @p2 $0x1082  }
0x22: {  	[simem:s7], [sflag:s8] =	dma.local @!p0 [hbm:s6], $0xF7A  }
0x23: {  	s9 =	sor.u32 $0xD0000000, s2;
	s6 =	simm.s32 $0x108;
	_ =	swait.ge @!p0 [sflag:s8], $0x0  }
0x24: {  	s3 =	sadd.s32 $0x88, s3;
	s6 =	simm.s32 @!p1 $0x1082;
	[sflag:s4] =	ssyncset.s32 $0xFFFFF086  }
0x25: {  	[simem:s6], [sflag:s4] =	dma.local [hbm:s3], $0xF7A  }
0x26: {  	[smem:$0x3F9E] =	sst s1;
	(tag) =	ssettag s2;
	_ =	strace s9  }
0x27: {  	s1 =	sld [smem:$0x3FAE]  }
0x28: {  	s2 =	sld [smem:$0x3FAF]  }
0x29: {  	s4 =	sld [smem:$0x3FB1]  }
0x2a: {  	p0 =	seq.s32 s5, $0x0;
	s5 =	sld [smem:$0x3FB2]  }
0x2b: {  	s6 =	sld [smem:$0x3FB3]  }
0x2c: {  	s7 =	sld [smem:$0x3FB4]  }
0x2d: {  	s3 =	simm.s32 $0x108;
	s8 =	sld [smem:$0x3FB5]  }
0x2e: {  	s3 =	simm.s32 @!p0 $0x1082;
	s9 =	sld [smem:$0x3FB6]  }
0x2f: {  	lr =	sadd.s32 s0, s3;
	s0 =	sld [smem:$0x3FAD]  }
0x30: {  	s3 =	sld [smem:$0x3FB0]  }
0x31: {  	[smem:$0x3FB9] =	sst s10  }
0x32: {  	s10 =	sld [smem:$0x3FB7];
	_ =	sdelay $0x3  }
0x33: {  	p0 =	seq.s32 s10, $0x1;
	s10 =	sld [smem:$0x3FB9];
	_ =	sdelay $0x3  }
0x34: {  	[smem:$0x3FB9] =	sst s10  }
0x35: {  	s10 =	sld [smem:$0x3FB8];
	_ =	sdelay $0x3  }
0x36: {  	p1 =	seq.s32 s10, $0x1;
	s10 =	sld [smem:$0x3FB9];
	_ =	sdelay $0x3  }
0x37: {  	[smem:$0x3FB9] =	sst s10  }
0x38: {  	s10 =	sld [smem:$0x3FBA]  }
0x39: {  	_ = 	snop;
	(pc) =	sbr.ind lr, $3  }
0x3a: {  	_ = 	snop  }
0x3b: {  	_ = 	snop  }
0x3c: {  	p2 =	seq.s32 s10, $0x1;
	s10 =	sld [smem:$0x3FB9]  }
0x3d: {  	_ =	shalt  }
0x3e: {  	_ =	shalt  }
0x3f: {  	_ =	shalt  }
0x40: {  	_ =	shalt  }
0x41: {  	_ =	shalt  }
0x42: {  	_ =	shalt  }
0x43: {  	_ =	shalt  }
0x44: {  	_ =	shalt  }
0x45: {  	_ =	shalt  }
0x46: {  	_ =	shalt  }
0x47: {  	_ =	shalt  }
0x48: {  	_ =	shalt  }
0x49: {  	_ =	shalt  }
0x4a: {  	_ =	shalt  }
0x4b: {  	_ =	shalt  }
0x4c: {  	_ =	shalt  }
0x4d: {  	_ =	shalt  }
0x4e: {  	_ =	shalt  }
0x4f: {  	_ =	shalt  }
0x50: {  	_ =	shalt  }
0x51: {  	_ =	shalt  }
0x52: {  	_ =	shalt  }
0x53: {  	_ =	shalt  }
0x54: {  	_ =	shalt  }
0x55: {  	_ =	shalt  }
0x56: {  	_ =	shalt  }
0x57: {  	_ =	shalt  }
0x58: {  	_ =	shalt  }
0x59: {  	_ =	shalt  }
0x5a: {  	_ =	shalt  }
0x5b: {  	_ =	shalt  }
0x5c: {  	_ =	shalt  }
0x5d: {  	_ =	shalt  }
0x5e: {  	_ =	shalt  }
0x5f: {  	_ =	shalt  }
0x60: {  	_ =	shalt  }
0x61: {  	_ =	shalt  }
0x62: {  	_ =	shalt  }
0x63: {  	_ =	shalt  }
0x64: {  	_ =	shalt  }
0x65: {  	_ =	shalt  }
0x66: {  	_ =	shalt  }
0x67: {  	_ =	shalt  }
0x68: {  	_ =	shalt  }
0x69: {  	_ =	shalt  }
0x6a: {  	_ =	shalt  }
0x6b: {  	_ =	shalt  }
0x6c: {  	_ =	shalt  }
0x6d: {  	_ =	shalt  }
0x6e: {  	_ =	shalt  }
0x6f: {  	_ =	shalt  }
0x70: {  	_ =	shalt  }
0x71: {  	_ =	shalt  }
0x72: {  	_ =	shalt  }
0x73: {  	_ =	shalt  }
0x74: {  	_ =	shalt  }
0x75: {  	_ =	shalt  }
0x76: {  	_ =	shalt  }
0x77: {  	_ =	shalt  }
0x78: {  	_ =	shalt  }
0x79: {  	_ =	shalt  }
0x7a: {  	_ =	shalt  }
0x7b: {  	_ =	shalt  }
0x7c: {  	_ =	shalt  }
0x7d: {  	_ =	shalt  }
0x7e: {  	_ =	shalt  }
0x7f: {  	_ =	shalt  }
0x80: {  	_ =	shalt  }
0x81: {  	_ =	shalt  }
0x82: {  	_ =	shalt  }
0x83: {  	_ =	shalt  }
0x84: {  	_ =	shalt  }
0x85: {  	_ =	shalt  }
0x86: {  	_ =	shalt  }
0x87: {  	_ =	shalt  }
.Lfunc_end0:
.L_simem_size_0:
called_computation_lowered:
.L_overlay_start_0:
0x88: {  	s2 =	sld [smem:$0x3FD9]  }
0x89: {  	s3 =	sld [smem:$0x3FFE];
	_ =	sdelay $0x1  }
0x8a: {  	s1 =	srdreg.scid  }
0x8b: {  	s0 =	sand.u32 $0x1, s1  }
0x8c: {  	s17 =	sshll.u32 s0, $0xA;
	s2 =	sadd.s32 s3, s2  }
0x8d: {  	s2 =	sadd.s32 s2, s17  }
0x8e: {  	[smem:$0x3FC5] =	sst s2  }
0x8f: {  	_ = 	snop  }
0x90: {  	s2 =	sld [smem:$0x3FD0];
	(tm) =	ssettm $0x1  }
0x91: {  	s18 =	sld [smem:$0x3FFB];
	_ =	sdelay $0x3  }
0x92: {  	_ =	strace s18  }
0x93: {  	s3 =	sld [smem:$0x3FFC];
	_ =	sdelay $0x3  }
0x94: {  	_ =	strace s3  }
0x95: {  	s3 =	sld [smem:$0x3FFD];
	_ =	sdelay $0x3  }
0x96: {  	_ =	strace s3  }
0x97: {  	_ =	strace $0x8FFFFFFF  }
0x98: {  	s19 =	sld [smem:$0x3FDB];
	_ =	sdelay $0x1  }
0x99: {  	s4 =	simm.s32 $_scs_section_size  }
0x9a: {  	s5 =	simm.s32 $_size__tile_overlayer_lowered;
	s6 =	simm.s32 $_tile_overlayer_lowered  }
0x9b: {  	s22 =	simm.s32 $0x1BFF;
	s21 =	sshll.u32 s6, $0x1;
	s3 =	sadd.s32 s4, s19  }
0x9c: {  	s7 =	simm.s32 $0x0;
	s20 =	sshll.u32 s5, $0x1;
	s5 =	sadd.s32 s21, s3  }
0x9d: {  	[timem:s7], [sflag:s22] =	dma.local [hbm:s5], s20  }
0x9e: {  	_ =	swait.ge [sflag:s22], s20  }
0x9f: {  	s4 =	ssub.s32 $0x0, s20;
	[sflag:s22] =	ssyncset.done $0x0  }
0xa0: {  	[sflag:s22] =	ssyncadd.s32 s4;
	_ =	sdelay $0x1  }
0xa1: {  	s23 =	simm.s32 $0x1B8B  }
0xa2: {  	_ =	swait.ge [sflag:s23], $0x1  }
0xa3: {  	[sflag:s23] =	ssyncset.done $0x0  }
0xa4: {  	s25 =	simm.s32 $0x1B8E;
	s24 =	sld [smem:$0x3FFE];
	[sflag:s23] =	ssyncadd.s32 $0xFFFFFFFF  }
0xa5: {  	s26 =	simm.s32 $execute0_lowered;
	[smem:$0x3FD2] =	sst s25  }
0xa6: {  	s5 =	sshll.u32 s26, $0x1;
	_ =	strace $0x80000046;
	[dreg:$0x1] =	wrdreg $0xFFFFFFFF  }
0xa7: {  	s28 =	simm.s32 $_size_execute0_lowered;
	s3 =	sadd.s32 s3, s5;
	[dreg:$0x0] =	wrdreg $0x0  }
0xa8: {  	s5 =	sshll.u32 s28, $0x1;
	[dreg:$0x2] =	wrdreg s3  }
0xa9: {  	[dreg:$0x3] =	wrdreg s5  }
0xaa: {  	[dreg:$0x4] =	wrdreg $0xC0  }
0xab: {  	_ =	task [dreg:s7], $0x5FFFF  }
0xac: {  	[dreg:$0x1] =	wrdreg $0xFFFFFFFF  }
0xad: {  	[dreg:$0x0] =	wrdreg $0x60  }
0xae: {  	[dreg:$0x2] =	wrdreg s2  }
0xaf: {  	[dreg:$0x3] =	wrdreg s24  }
0xb0: {  	[dreg:$0x4] =	wrdreg $0x9  }
0xb1: {  	_ =	task.clear_ibuf [dreg:s7], $0x5FFFF;
	_ =	strace $0x90000046  }
0xb2: {  	s29 =	simm.s32 $0x9;
	_ =	strace $0x80000048  }
0xb3: {  	_ =	swait.ge [sflag:s29], $0x1  }
0xb4: {  	[sflag:s29] =	ssyncadd.s32 $0xFFFFFFFF  }
0xb5: {  	_ =	strace $0x90000048  }
0xb6: {  	_ =	sfence  }
0xb7: {  	s30 =	sld [smem:$0x0];
	_ =	sdelay $0x2  }
0xb8: {  	s31 =	sshll.u32 s1, $0xD;
	s1 =	sshrl.u32 s1, $0x2  }
0xb9: {  	s3 =	sand.u32 $0x4000, s31;
	s1 =	sadd.s32 s1, s30  }
0xba: {  	s0 =	sor.u32 s3, s0;
	s1 =	sshll.u32 s1, $0x11  }
0xbb: {  	s0 =	sor.u32 s1, s0  }
0xbc: {  	s0 =	sadd.s32 $0x8F2B, s0  }
0xbd: {  	[sflag:s0] =	ssyncadd.remote.s32 $0x1  }
0xbe: {  	_ =	sfence.sel $0xFFFF  }
0xbf: {  	[dreg:$0x0] =	wrdreg $0xFFFFFFFF;
	(pc) =	sbr.abs _section_cstart, $3  }
0xc0: {  	[dreg:$0x1] =	wrdreg $0xFFFFFFFF  }
0xc1: {  	_ =	task.clear_ibuf [dreg:s7], $0x2FFFF;
	_ =	strace $0x9FFFFFFF  }
0xc2: {  	(tm) =	ssettm $0x7FFFFFFF  }
0xc3: {  	_ =	shalt  }
tec
execute0_lowered:
.L_overlay_start_1:
0x0: {  	(tag) =	ssettag $0x1  }
0x1: {  	s1 =	srdreg.scid  }
0x2: {  	s3 =	rddreg [dreg:$0x0];
	s0 =	stileid.u32  }
0x3: {  	s5 =	rddreg [dreg:$0x1];
	s2 =	simm.s32 $0x0;
	s31 =	simm.s32 $0x400  }
0x4: {  	s4 =	sand.u32 $0x1, s1;
	s6 =	sshll.u32 s0, $0x4;
	[smem:$0x7FF] =	sst s2  }
0x5: {  	s1 =	rddreg [dreg:$0x2];
	s7 =	sshll.u32 s4, $0x3;
	_ =	strace $0x80000047  }
0x6: {  	s4 =	ssub.s32 $0x2, s4;
	[dreg:$0x4] =	wrdreg s31;
	s6 =	sor.u32 s7, s6  }
0x7: {  	s28 =	sshrl.u32 s4, $0x1;
	s7 =	sshrl.u32 s6, $0x3;
	s6 =	sshll.u32 s6, $0x4  }
0x8: {  	s4 =	ssub.s32 s4, s28;
	s7 =	sadd.s32 s7, s5;
	s3 =	sadd.s32 s3, s6  }
0x9: {  	s5 =	sadd.s32 s6, s5;
	[dreg:$0x3] =	wrdreg s3;
	s29 =	sadd.s32 $0x40600, s7  }
0xa: {  	s30 =	sadd.s32 $0x40800, s5;
	s3 =	smax.u32 s4, $0x1;
	[dreg:$0x5] =	wrdreg s29  }
0xb: {  	v0 =	vlaneseq.u32;
	s4 =	simm.s32 $0x1;
	s5 =	simm.s32 $0x480;
	[dreg:$0x6] =	wrdreg s30  }
.LBB2_1:
0xc: {  	s6 =	rddreg [dreg:$0x3]  }
0xd: {  	[tilespmem:s2], [sflag:$0x1] =	stream.linear.gather [hbm4b:s6+s2], $0x400, $0x38;
	[tilespmem:$0x880] =	vst v63  }
0xe: {  	_ =	swait.ge [sflag:s4], $0x400  }
0xf: {  	s29 =	rddreg [dreg:$0x4];
	[sflag:s4] =	ssyncset.done $0x0  }
0x10: {  	s7 =	rddreg [dreg:$0x5];
	[sflag:s4] =	ssyncadd.s32 $0xFFFFFC00  }
0x11: {  	[tilespmem:s29], [sflag:$0x1] =	stream.linear.gather [hbm4b:s7+s2], $0x8, $0x38;
	[tilespmem:$0x880] =	vst v63  }
0x12: {  	_ =	swait.ge [sflag:s4], $0x8  }
0x13: {  	[sflag:s4] =	ssyncset.done $0x0  }
0x14: {  	[sflag:s4] =	ssyncadd.s32 $0xFFFFFFF8  }
0x15: {  	v1 =	vld [tilespmem:$0x0];
	_ =	sdelay $0x4  }
0x16: {  	v1 =	vmul.f32 $1.442695020e+00, v1;
	_ =	sdelay $0x1  }
0x17: {  	(erf) = vpow2.f32 v1;
	_ =	sdelay $0x8  }
0x18: {  	v1 =	vpop (erf)  }
0x19: {  	(xrf1) =	vsort.dscd.msk.f32 $0xffff, v1, v0;
	_ =	sdelay $0xd  }
0x1a: {  	v1, v2, _ =	vpop (xrf1)  }
0x1b: {  	(xrf2) =	vadd.scan.msk.f32 $0xffff, v1;
	_ =	sdelay $0x9  }
0x1c: {  	v1, _, _ =	vpop (xrf2)  }
0x1d: {  	(v2sf) =	vpush v1, $0xF;
	_ =	sdelay $0xe  }
0x1e: {  	s30 =	spop (v2sf)  }
0x1f: {  	s6 =	smul.f32 $9.499999880e-01, s30;
	_ =	sdelay $0x1  }
0x20: {  	vm0 =	vlt.f32 v1, s6  }
0x21: {  	v1 =	vld [tilespmem:$0x400];
	v3 =	vmpcnt.ones.xlane vm0;
	_ =	sdelay $0x1  }
0x22: {  	(v2sf) =	vpush v3, $0x0;
	_ =	sdelay $0x2  }
0x23: {  	(v2sf) =	vpush v1, $0x0;
	_ =	sdelay $0xb  }
0x24: {  	s6 =	spop (v2sf)  }
0x25: {  	p0 =	sgt.s32 s6, $0x1  }
0x26: {  	s6 =	simm.s32 @!p0 $0x1  }
0x27: {  	s31 =	spop (v2sf);
	s6 =	smin.u32 s6, $0xB  }
0x28: {  	v4 =	vbroadcast v1, $0x0;
	s8 =	sadd.f32 $1.000000020e+30, s31;
	v3 =	vmov s6  }
0x29: {  	vm13 =	vgt.u32 v3, v0  }
0x2a: {  	v3 =	vnsel vm13, s8, v4  }
0x2b: {  	v3 =	vmul.f32 $1.442695020e+00, v3;
	_ =	sdelay $0x1  }
0x2c: {  	[tilespmem:v2+s5+$0x0] =	vst.idx.msk $0xffff, v3  }
0x2d: {  	v2 =	vld [tilespmem:$0x80];
	_ =	sdelay $0x4  }
0x2e: {  	v2 =	vmul.f32 $1.442695020e+00, v2;
	_ =	sdelay $0x1  }
0x2f: {  	(erf) = vpow2.f32 v2;
	_ =	sdelay $0x8  }
0x30: {  	v2 =	vpop (erf)  }
0x31: {  	(xrf1) =	vsort.dscd.msk.f32 $0xffff, v2, v0;
	_ =	sdelay $0xd  }
0x32: {  	v2, v3, _ =	vpop (xrf1)  }
0x33: {  	(xrf2) =	vadd.scan.msk.f32 $0xffff, v2;
	_ =	sdelay $0x9  }
0x34: {  	v2, _, _ =	vpop (xrf2)  }
0x35: {  	(v2sf) =	vpush v2, $0xF;
	_ =	sdelay $0xe  }
0x36: {  	s9 =	spop (v2sf)  }
0x37: {  	s6 =	smul.f32 $9.499999880e-01, s9;
	_ =	sdelay $0x1  }
0x38: {  	vm14 =	vlt.f32 v2, s6  }
0x39: {  	v2 =	vmpcnt.ones.xlane vm14;
	_ =	sdelay $0x1  }
0x3a: {  	(v2sf) =	vpush v2, $0x0;
	_ =	sdelay $0x2  }
0x3b: {  	(v2sf) =	vpush v1, $0x1;
	_ =	sdelay $0xb  }
0x3c: {  	s6 =	spop (v2sf)  }
0x3d: {  	p0 =	sgt.s32 s6, $0x1  }
0x3e: {  	s6 =	simm.s32 @!p0 $0x1  }
0x3f: {  	s10 =	spop (v2sf);
	s6 =	smin.u32 s6, $0xB  }
0x40: {  	v58 =	vbroadcast v1, $0x1;
	v3 =	vadd.s32 $0x80, v3;
	s11 =	sadd.f32 $1.000000020e+30, s10;
	v2 =	vmov s6  }
0x41: {  	vm15 =	vgt.u32 v2, v0  }
0x42: {  	v2 =	vnsel vm15, s11, v58  }
0x43: {  	v2 =	vmul.f32 $1.442695020e+00, v2;
	_ =	sdelay $0x1  }
0x44: {  	[tilespmem:v3+s5+$0x0] =	vst.idx.msk $0xffff, v2  }
0x45: {  	v2 =	vld [tilespmem:$0x100];
	_ =	sdelay $0x4  }
0x46: {  	v2 =	vmul.f32 $1.442695020e+00, v2;
	_ =	sdelay $0x1  }
0x47: {  	(erf) = vpow2.f32 v2;
	_ =	sdelay $0x8  }
0x48: {  	v2 =	vpop (erf)  }
0x49: {  	(xrf1) =	vsort.dscd.msk.f32 $0xffff, v2, v0;
	_ =	sdelay $0xd  }
0x4a: {  	v2, v3, _ =	vpop (xrf1)  }
0x4b: {  	(xrf2) =	vadd.scan.msk.f32 $0xffff, v2;
	_ =	sdelay $0x9  }
0x4c: {  	v2, _, _ =	vpop (xrf2)  }
0x4d: {  	(v2sf) =	vpush v2, $0xF;
	_ =	sdelay $0xe  }
0x4e: {  	s12 =	spop (v2sf)  }
0x4f: {  	s6 =	smul.f32 $9.499999880e-01, s12;
	_ =	sdelay $0x1  }
0x50: {  	vm4 =	vlt.f32 v2, s6  }
0x51: {  	v2 =	vmpcnt.ones.xlane vm4;
	_ =	sdelay $0x1  }
0x52: {  	(v2sf) =	vpush v2, $0x0;
	_ =	sdelay $0x2  }
0x53: {  	(v2sf) =	vpush v1, $0x2;
	_ =	sdelay $0xb  }
0x54: {  	s6 =	spop (v2sf)  }
0x55: {  	p0 =	sgt.s32 s6, $0x1  }
0x56: {  	s6 =	simm.s32 @!p0 $0x1  }
0x57: {  	s13 =	spop (v2sf);
	s6 =	smin.u32 s6, $0xB  }
0x58: {  	v59 =	vbroadcast v1, $0x2;
	v3 =	vadd.s32 $0x100, v3;
	s14 =	sadd.f32 $1.000000020e+30, s13;
	v2 =	vmov s6  }
0x59: {  	vm5 =	vgt.u32 v2, v0  }
0x5a: {  	v2 =	vnsel vm5, s14, v59  }
0x5b: {  	v2 =	vmul.f32 $1.442695020e+00, v2;
	_ =	sdelay $0x1  }
0x5c: {  	[tilespmem:v3+s5+$0x0] =	vst.idx.msk $0xffff, v2  }
0x5d: {  	v2 =	vld [tilespmem:$0x180];
	_ =	sdelay $0x4  }
0x5e: {  	v2 =	vmul.f32 $1.442695020e+00, v2;
	_ =	sdelay $0x1  }
0x5f: {  	(erf) = vpow2.f32 v2;
	_ =	sdelay $0x8  }
0x60: {  	v2 =	vpop (erf)  }
0x61: {  	(xrf1) =	vsort.dscd.msk.f32 $0xffff, v2, v0;
	_ =	sdelay $0xd  }
0x62: {  	v2, v3, _ =	vpop (xrf1)  }
0x63: {  	(xrf2) =	vadd.scan.msk.f32 $0xffff, v2;
	_ =	sdelay $0x9  }
0x64: {  	v2, _, _ =	vpop (xrf2)  }
0x65: {  	(v2sf) =	vpush v2, $0xF;
	_ =	sdelay $0xe  }
0x66: {  	s15 =	spop (v2sf)  }
0x67: {  	s6 =	smul.f32 $9.499999880e-01, s15;
	_ =	sdelay $0x1  }
0x68: {  	vm6 =	vlt.f32 v2, s6  }
0x69: {  	v2 =	vmpcnt.ones.xlane vm6;
	_ =	sdelay $0x1  }
0x6a: {  	(v2sf) =	vpush v2, $0x0;
	_ =	sdelay $0x2  }
0x6b: {  	(v2sf) =	vpush v1, $0x3;
	_ =	sdelay $0xb  }
0x6c: {  	s6 =	spop (v2sf)  }
0x6d: {  	p0 =	sgt.s32 s6, $0x1  }
0x6e: {  	s6 =	simm.s32 @!p0 $0x1  }
0x6f: {  	s16 =	spop (v2sf);
	s6 =	smin.u32 s6, $0xB  }
0x70: {  	v60 =	vbroadcast v1, $0x3;
	v3 =	vadd.s32 $0x180, v3;
	s17 =	sadd.f32 $1.000000020e+30, s16;
	v2 =	vmov s6  }
0x71: {  	vm7 =	vgt.u32 v2, v0  }
0x72: {  	v2 =	vnsel vm7, s17, v60  }
0x73: {  	v2 =	vmul.f32 $1.442695020e+00, v2;
	_ =	sdelay $0x1  }
0x74: {  	[tilespmem:v3+s5+$0x0] =	vst.idx.msk $0xffff, v2  }
0x75: {  	v2 =	vld [tilespmem:$0x200];
	_ =	sdelay $0x4  }
0x76: {  	v2 =	vmul.f32 $1.442695020e+00, v2;
	_ =	sdelay $0x1  }
0x77: {  	(erf) = vpow2.f32 v2;
	_ =	sdelay $0x8  }
0x78: {  	v2 =	vpop (erf)  }
0x79: {  	(xrf1) =	vsort.dscd.msk.f32 $0xffff, v2, v0;
	_ =	sdelay $0xd  }
0x7a: {  	v2, v3, _ =	vpop (xrf1)  }
0x7b: {  	(xrf2) =	vadd.scan.msk.f32 $0xffff, v2;
	_ =	sdelay $0x9  }
0x7c: {  	v2, _, _ =	vpop (xrf2)  }
0x7d: {  	(v2sf) =	vpush v2, $0xF;
	_ =	sdelay $0xe  }
0x7e: {  	s18 =	spop (v2sf)  }
0x7f: {  	s6 =	smul.f32 $9.499999880e-01, s18;
	_ =	sdelay $0x1  }
0x80: {  	vm8 =	vlt.f32 v2, s6  }
0x81: {  	v2 =	vmpcnt.ones.xlane vm8;
	_ =	sdelay $0x1  }
0x82: {  	(v2sf) =	vpush v2, $0x0;
	_ =	sdelay $0x2  }
0x83: {  	(v2sf) =	vpush v1, $0x4;
	_ =	sdelay $0xb  }
0x84: {  	s6 =	spop (v2sf)  }
0x85: {  	p0 =	sgt.s32 s6, $0x1  }
0x86: {  	s6 =	simm.s32 @!p0 $0x1  }
0x87: {  	s19 =	spop (v2sf);
	s6 =	smin.u32 s6, $0xB  }
0x88: {  	v61 =	vbroadcast v1, $0x4;
	v3 =	vadd.s32 $0x200, v3;
	s20 =	sadd.f32 $1.000000020e+30, s19;
	v2 =	vmov s6  }
0x89: {  	vm9 =	vgt.u32 v2, v0  }
0x8a: {  	v2 =	vnsel vm9, s20, v61  }
0x8b: {  	v2 =	vmul.f32 $1.442695020e+00, v2;
	_ =	sdelay $0x1  }
0x8c: {  	[tilespmem:v3+s5+$0x0] =	vst.idx.msk $0xffff, v2  }
0x8d: {  	v2 =	vld [tilespmem:$0x280];
	_ =	sdelay $0x4  }
0x8e: {  	v2 =	vmul.f32 $1.442695020e+00, v2;
	_ =	sdelay $0x1  }
0x8f: {  	(erf) = vpow2.f32 v2;
	_ =	sdelay $0x8  }
0x90: {  	v2 =	vpop (erf)  }
0x91: {  	(xrf1) =	vsort.dscd.msk.f32 $0xffff, v2, v0;
	_ =	sdelay $0xd  }
0x92: {  	v2, v3, _ =	vpop (xrf1)  }
0x93: {  	(xrf2) =	vadd.scan.msk.f32 $0xffff, v2;
	_ =	sdelay $0x9  }
0x94: {  	v2, _, _ =	vpop (xrf2)  }
0x95: {  	(v2sf) =	vpush v2, $0xF;
	_ =	sdelay $0xe  }
0x96: {  	s21 =	spop (v2sf)  }
0x97: {  	s6 =	smul.f32 $9.499999880e-01, s21;
	_ =	sdelay $0x1  }
0x98: {  	vm10 =	vlt.f32 v2, s6  }
0x99: {  	v2 =	vmpcnt.ones.xlane vm10;
	_ =	sdelay $0x1  }
0x9a: {  	(v2sf) =	vpush v2, $0x0;
	_ =	sdelay $0x2  }
0x9b: {  	(v2sf) =	vpush v1, $0x5;
	_ =	sdelay $0xb  }
0x9c: {  	s6 =	spop (v2sf)  }
0x9d: {  	p0 =	sgt.s32 s6, $0x1  }
0x9e: {  	s6 =	simm.s32 @!p0 $0x1  }
0x9f: {  	s22 =	spop (v2sf);
	s6 =	smin.u32 s6, $0xB  }
0xa0: {  	v62 =	vbroadcast v1, $0x5;
	v3 =	vadd.s32 $0x280, v3;
	s23 =	sadd.f32 $1.000000020e+30, s22;
	v2 =	vmov s6  }
0xa1: {  	vm11 =	vgt.u32 v2, v0  }
0xa2: {  	v2 =	vnsel vm11, s23, v62  }
0xa3: {  	v2 =	vmul.f32 $1.442695020e+00, v2;
	_ =	sdelay $0x1  }
0xa4: {  	[tilespmem:v3+s5+$0x0] =	vst.idx.msk $0xffff, v2  }
0xa5: {  	v2 =	vld [tilespmem:$0x300];
	_ =	sdelay $0x4  }
0xa6: {  	v2 =	vmul.f32 $1.442695020e+00, v2;
	_ =	sdelay $0x1  }
0xa7: {  	(erf) = vpow2.f32 v2;
	_ =	sdelay $0x8  }
0xa8: {  	v2 =	vpop (erf)  }
0xa9: {  	(xrf1) =	vsort.dscd.msk.f32 $0xffff, v2, v0;
	_ =	sdelay $0xd  }
0xaa: {  	v2, v3, _ =	vpop (xrf1)  }
0xab: {  	(xrf2) =	vadd.scan.msk.f32 $0xffff, v2;
	_ =	sdelay $0x9  }
0xac: {  	v2, _, _ =	vpop (xrf2)  }
0xad: {  	(v2sf) =	vpush v2, $0xF;
	_ =	sdelay $0xe  }
0xae: {  	s24 =	spop (v2sf)  }
0xaf: {  	s6 =	smul.f32 $9.499999880e-01, s24;
	_ =	sdelay $0x1  }
0xb0: {  	vm12 =	vlt.f32 v2, s6  }
0xb1: {  	v2 =	vmpcnt.ones.xlane vm12;
	_ =	sdelay $0x1  }
0xb2: {  	(v2sf) =	vpush v2, $0x0;
	_ =	sdelay $0x2  }
0xb3: {  	(v2sf) =	vpush v1, $0x6;
	_ =	sdelay $0xb  }
0xb4: {  	s6 =	spop (v2sf)  }
0xb5: {  	p0 =	sgt.s32 s6, $0x1  }
0xb6: {  	s6 =	simm.s32 @!p0 $0x1  }
0xb7: {  	s25 =	spop (v2sf);
	s6 =	smin.u32 s6, $0xB  }
0xb8: {  	v63 =	vbroadcast v1, $0x6;
	v3 =	vadd.s32 $0x300, v3;
	s26 =	sadd.f32 $1.000000020e+30, s25;
	v2 =	vmov s6  }
0xb9: {  	vm13 =	vgt.u32 v2, v0  }
0xba: {  	v2 =	vnsel vm13, s26, v63  }
0xbb: {  	v2 =	vmul.f32 $1.442695020e+00, v2;
	_ =	sdelay $0x1  }
0xbc: {  	[tilespmem:v3+s5+$0x0] =	vst.idx.msk $0xffff, v2  }
0xbd: {  	v2 =	vld [tilespmem:$0x380];
	_ =	sdelay $0x4  }
0xbe: {  	v2 =	vmul.f32 $1.442695020e+00, v2;
	_ =	sdelay $0x1  }
0xbf: {  	(erf) = vpow2.f32 v2;
	_ =	sdelay $0x8  }
0xc0: {  	v2 =	vpop (erf)  }
0xc1: {  	(xrf1) =	vsort.dscd.msk.f32 $0xffff, v2, v0;
	_ =	sdelay $0xd  }
0xc2: {  	v2, v3, _ =	vpop (xrf1)  }
0xc3: {  	(xrf2) =	vadd.scan.msk.f32 $0xffff, v2;
	_ =	sdelay $0x9  }
0xc4: {  	v2, _, _ =	vpop (xrf2)  }
0xc5: {  	(v2sf) =	vpush v2, $0xF;
	_ =	sdelay $0xe  }
0xc6: {  	s28 =	spop (v2sf)  }
0xc7: {  	s6 =	smul.f32 $9.499999880e-01, s28;
	_ =	sdelay $0x1  }
0xc8: {  	vm14 =	vlt.f32 v2, s6  }
0xc9: {  	v2 =	vmpcnt.ones.xlane vm14;
	_ =	sdelay $0x1  }
0xca: {  	(v2sf) =	vpush v2, $0x0;
	_ =	sdelay $0x2  }
0xcb: {  	(v2sf) =	vpush v1, $0x7;
	_ =	sdelay $0xb  }
0xcc: {  	s6 =	spop (v2sf)  }
0xcd: {  	p0 =	sgt.s32 s6, $0x1  }
0xce: {  	s6 =	simm.s32 @!p0 $0x1  }
0xcf: {  	s29 =	spop (v2sf);
	s6 =	smin.u32 s6, $0xB  }
0xd0: {  	v3 =	vadd.s32 $0x380, v3;
	v1 =	vbroadcast v1, $0x7;
	s30 =	sadd.f32 $1.000000020e+30, s29;
	v2 =	vmov s6  }
0xd1: {  	vm15 =	vgt.u32 v2, v0  }
0xd2: {  	v1 =	vnsel vm15, s30, v1  }
0xd3: {  	v1 =	vmul.f32 $1.442695020e+00, v1  }
0xd4: {  	p0 =	sne.s32 s3, $0x1  }
.Ltmp0:
0xd5: {  	s31 =	rddreg [dreg:$0x6];
	[tilespmem:v3+s5+$0x0] =	vst.idx.msk $0xffff, v1;
	(pc) =	sbr.rel @p0 .LBB2_1-.Ltmp0, $4  }
0xd6: {  	[hbm4b:s31+s2] =	stream.linear.scatter [tilespmem:s5], [sflag:$0x1], $0x400, $0x38;
	[tilespmem:$0x880] =	vst v63  }
0xd7: {  	_ =	swait.ge [sflag:s4], $0x400  }
0xd8: {  	[sflag:s4] =	ssyncset.done $0x0  }
0xd9: {  	s3 =	sadd.s32 $0xFFFFFFFF, s3;
	[sflag:s4] =	ssyncadd.s32 $0xFFFFFC00  }
0xda: {  	_ =	sfence.sel $0x180000  }
0xdb: {  	[bflag:$0x0] =	sbarrier.arrive $0xFFFF  }
0xdc: {  	p0 =	sne.s32 s0, $0x0;
	_ =	strace $0x90000047  }
0xdd: {  	s0 =	sadd.s32 @!p0 $0x100000, s1;
	[bflag:$0x2] =	sbarrier.arrive $0xFFFF  }
0xde: {  	[sflag:s0] =	ssyncadd.tile.s32 @!p0 $0x1;
	_ =	shalt  }
.Lfunc_end2:
_tile_overlayer_lowered:
.L_overlay_start_2:
0xdf: {  	(tag) =	ssettag $0x2  }
0xe0: {  	s0 =	rddreg [dreg:$0x0];
	s2 =	stileid.u32  }
0xe1: {  	s1 =	rddreg [dreg:$0x1];
	p0 =	sne.s32 s2, $0x0  }
0xe2: {  	s3 =	rddreg [dreg:$0x2];
	[bflag:$0x3] =	sbarrier.arrive $0xFFFF;
	s2 =	simm.s32 @!p0 $0x1C01  }
0xe3: {  	[timem:s3], [sflag:s2] =	dma.local @!p0 [hbm:s0], s1  }
0xe4: {  	s0 =	simm.s32 @!p0 $0x1  }
0xe5: {  	_ =	swait.ge @!p0 [sflag:s0], s1  }
0xe6: {  	s1 =	ssub.s32 @!p0 $0x0, s1;
	[sflag:s0] =	ssyncset.done @!p0 $0x0  }
0xe7: {  	[sflag:s0] =	ssyncadd.s32 @!p0 s1  }
0xe8: {  	[bflag:$0x3] =	sbarrier.arrive $0xFFFF  }
0xe9: {  	_ =	shalt  }

</sc_bundles>
